<compile_context>
chip_gen: v7x
topology: tpu7x:2x2x1
jax: 0.10.2.dev20260603
libtpu: 0.0.44.dev20260713+nightly
codegen_flags: <defaults>
</compile_context>

<pallas_src>
import functools

import jax
import jax.numpy as jnp
from jax import lax
from jax.experimental import pallas as pl
from jax.experimental.pallas import tpu as pltpu
from jax.experimental.pallas import tpu_sc as plsc

CHUNK = 64
NBUF = 10


@functools.lru_cache(maxsize=None)
def _build(B, V, D):
    info = plsc.get_sparse_core_info()
    NC, NS = info.num_cores, info.num_subcores
    NW = NC * NS
    assert B % (NW * CHUNK) == 0, (B, NW, CHUNK)
    b_per_w = B // NW
    n_chunks = b_per_w // CHUNK
    assert n_chunks % NBUF == 0 and n_chunks > NBUF

    mesh = plsc.VectorSubcoreMesh(core_axis_name="c", subcore_axis_name="s")

    @functools.partial(
        pl.kernel,
        out_type=jax.ShapeDtypeStruct((B, D), jnp.float32),
        mesh=mesh,
        scratch_types=[
            pltpu.VMEM((b_per_w,), jnp.int32),
            pltpu.VMEM((NBUF, CHUNK, D), jnp.float32),
            pltpu.SemaphoreType.DMA,
            pltpu.SemaphoreType.DMA,
        ],
    )
    def emb_gather(table_hbm, ids_hbm, out_hbm, idx_v, rows_v, gsem, wsem):
        wid = lax.axis_index("s") * NC + lax.axis_index("c")
        base = wid * b_per_w

        pltpu.sync_copy(ids_hbm.at[pl.ds(base, b_per_w)], idx_v)

        def issue_gather(c, b):
            pltpu.async_copy(
                table_hbm.at[idx_v.at[pl.ds(c * CHUNK, CHUNK)]],
                rows_v.at[b],
                gsem,
            )

        def wait_gather(b):
            pltpu.make_async_copy(
                table_hbm.at[idx_v.at[pl.ds(0, CHUNK)]], rows_v.at[b], gsem
            ).wait()

        def issue_write(c, b):
            off = base + c * CHUNK
            pltpu.async_copy(rows_v.at[b], out_hbm.at[pl.ds(off, CHUNK)], wsem)

        def wait_one_write():
            pltpu.make_async_copy(
                rows_v.at[0], out_hbm.at[pl.ds(base, CHUNK)], wsem
            ).wait()

        for c in range(NBUF):
            issue_gather(c, c)
        wait_gather(0)
        issue_write(0, 0)

        def steady(i):
            for b in range(NBUF):
                c = 1 + i * NBUF + b
                buf = (1 + b) % NBUF
                wait_one_write()
                issue_gather(c + NBUF - 1, b)
                wait_gather(buf)
                issue_write(c, buf)

        pl.loop(0, (n_chunks - NBUF) // NBUF)(steady)

        for t in range(NBUF - 1):
            c = n_chunks - (NBUF - 1) + t
            buf = c % NBUF
            wait_gather(buf)
            issue_write(c, buf)
        for _ in range(NBUF):
            wait_one_write()

    return emb_gather


def kernel(node_ids, table):
    flat_ids = node_ids.reshape(-1).astype(jnp.int32)
    B = flat_ids.shape[0]
    V, D = table.shape
    return _build(B, V, D)(table, flat_ids)

# --- scband reference (transcript-rebuilt; emitter-appended) ---
"""Pipeline reference for scband-global-node-embedding-72988674228242 (READ-ONLY COPY).

The authoritative reference and input builder live on the scoring server;
editing this copy changes nothing except your own understanding.
"""

import jax, jax.numpy as jnp
import numpy as np

NUM_GLOBAL_NODES = 100000
EMBEDDING_DIM = 128

def setup_inputs(seed: int = 0) -> dict:
    key = jax.random.key(seed)
    k1, k2 = jax.random.split(key)
    node_ids = jax.random.randint(k1, (16384, 50), 0, NUM_GLOBAL_NODES, dtype=jnp.int64 if jax.config.jax_enable_x64 else jnp.int32)
    table = jax.random.normal(k2, (NUM_GLOBAL_NODES, EMBEDDING_DIM), dtype=jnp.float32)
    return {"node_ids": node_ids, "table": table}

def reference(node_ids, table):
    flat_ids = node_ids.reshape(-1)
    return jnp.take(table, flat_ids, axis=0)

if __name__ == "__main__":
    import jax
    _d = setup_inputs()
    print(jax.jit(kernel)(*tuple(_d.values())))

</pallas_src>

<mosaic_0001>
#map = affine_map<(d0, d1) -> (0, 0)>
#map1 = affine_map<(d0, d1) -> (0)>
module attributes {stable_mosaic.version = 14 : i64} {
  func.func @emb_gather(%arg0: i32, %arg1: i32, %arg2: memref<100000x128xf32, #tpu.memory_space<hbm>>, %arg3: memref<819200xi32, #tpu.memory_space<hbm>>, %arg4: memref<819200x128xf32, #tpu.memory_space<hbm>>, %arg5: memref<25600xi32, #tpu.memory_space<vmem>>, %arg6: memref<10x64x128xf32, #tpu.memory_space<vmem>>, %arg7: memref<!tpu.dma_semaphore, #tpu.memory_space<semaphore_mem>>, %arg8: memref<!tpu.dma_semaphore, #tpu.memory_space<semaphore_mem>>) attributes {dimension_semantics = [#tpu.dimension_semantics<core_parallel>, #tpu.dimension_semantics<subcore_parallel>], iteration_bounds = array<i64: 2, 16>, scalar_prefetch = 0 : i64, scratch_operands = 4 : i64, tpu.core_type = #tpu.core_type<sc_vector_subcore>, window_params = [{transform_indices = #map}, {transform_indices = #map1}, {transform_indices = #map}]} {
    %mul3A = arith.constant 2 : i32
    %mul3A_0 = arith.muli %arg1, %mul3A : i32
    %add3A = arith.addi %mul3A_0, %arg0 : i32
    %mul3A_1 = arith.constant 25600 : i32
    %mul3A_2 = arith.muli %add3A, %mul3A_1 : i32
    "tpu.region"() ({
      %run_scoped3A = tpu.sem_alloc : memref<!tpu.dma_semaphore, #tpu.memory_space<semaphore_mem>>
      %dma_start3A_485 = tpu.memref_slice %arg3[%mul3A_2] : memref<819200xi32, #tpu.memory_space<hbm>> -> memref<25600xi32, #tpu.memory_space<hbm>>
      %dma_start3A_486 = tpu.memref_slice %arg3[%mul3A_2] : memref<819200xi32, #tpu.memory_space<hbm>> -> memref<25600xi32, #tpu.memory_space<hbm>>
      tpu.enqueue_dma source(%dma_start3A_486 : memref<25600xi32, #tpu.memory_space<hbm>>) target(%arg5 : memref<25600xi32, #tpu.memory_space<vmem>>) target_semaphore(%run_scoped3A : memref<!tpu.dma_semaphore, #tpu.memory_space<semaphore_mem>>)
      %dma_wait3A_487 = tpu.memref_slice %arg3[%mul3A_2] : memref<819200xi32, #tpu.memory_space<hbm>> -> memref<25600xi32, #tpu.memory_space<hbm>>
      %dma_wait3A_488 = tpu.memref_slice %arg3[%mul3A_2] : memref<819200xi32, #tpu.memory_space<hbm>> -> memref<25600xi32, #tpu.memory_space<hbm>>
      tpu.wait_dma2 semaphore(%run_scoped3A : memref<!tpu.dma_semaphore, #tpu.memory_space<semaphore_mem>>) src(%dma_wait3A_488 : memref<25600xi32, #tpu.memory_space<hbm>>) dst(%arg5 : memref<25600xi32, #tpu.memory_space<vmem>>)
      tpu.yield
    }) : () -> ()
    %dma_start3A = arith.constant 0 : i32
    %dma_start3A_3 = arith.constant 0 : i32
    %dma_start3A_4 = arith.constant 0 : i32
    %dma_start3A_5 = tpu.memref_slice %arg6[%dma_start3A, %dma_start3A_3, %dma_start3A_4] : memref<10x64x128xf32, #tpu.memory_space<vmem>> -> memref<1x64x128xf32, #tpu.memory_space<vmem>>
    %dma_start3A_6 = tpu.memref_squeeze %dma_start3A_5 : memref<1x64x128xf32, #tpu.memory_space<vmem>> -> memref<64x128xf32, #tpu.memory_space<vmem>>
    %dma_start3A_7 = arith.constant 0 : i32
    %dma_start3A_8 = tpu.memref_slice %arg5[%dma_start3A_7] : memref<25600xi32, #tpu.memory_space<vmem>> -> memref<64xi32, #tpu.memory_space<vmem>>
    %dma_start3A_9 = arith.constant 0 : i32
    %dma_start3A_10 = arith.constant 0 : i32
    %dma_start3A_11 = tpu.memref_slice %arg2[%dma_start3A_9, %dma_start3A_10] : memref<100000x128xf32, #tpu.memory_space<hbm>> -> memref<100000x128xf32, #tpu.memory_space<hbm>>
    tpu.enqueue_indirect_dma source(%dma_start3A_11 : memref<100000x128xf32, #tpu.memory_space<hbm>>) target(%dma_start3A_6 : memref<64x128xf32, #tpu.memory_space<vmem>>) offsets(%dma_start3A_8 : memref<64xi32, #tpu.memory_space<vmem>>) semaphore(%arg7 : memref<!tpu.dma_semaphore, #tpu.memory_space<semaphore_mem>>)
    %dma_start3A_12 = arith.constant 1 : i32
    %dma_start3A_13 = arith.constant 0 : i32
    %dma_start3A_14 = arith.constant 0 : i32
    %dma_start3A_15 = tpu.memref_slice %arg6[%dma_start3A_12, %dma_start3A_13, %dma_start3A_14] : memref<10x64x128xf32, #tpu.memory_space<vmem>> -> memref<1x64x128xf32, #tpu.memory_space<vmem>>
    %dma_start3A_16 = tpu.memref_squeeze %dma_start3A_15 : memref<1x64x128xf32, #tpu.memory_space<vmem>> -> memref<64x128xf32, #tpu.memory_space<vmem>>
    %dma_start3A_17 = arith.constant 64 : i32
    %dma_start3A_18 = tpu.memref_slice %arg5[%dma_start3A_17] : memref<25600xi32, #tpu.memory_space<vmem>> -> memref<64xi32, #tpu.memory_space<vmem>>
    %dma_start3A_19 = arith.constant 0 : i32
    %dma_start3A_20 = arith.constant 0 : i32
    %dma_start3A_21 = tpu.memref_slice %arg2[%dma_start3A_19, %dma_start3A_20] : memref<100000x128xf32, #tpu.memory_space<hbm>> -> memref<100000x128xf32, #tpu.memory_space<hbm>>
    tpu.enqueue_indirect_dma source(%dma_start3A_21 : memref<100000x128xf32, #tpu.memory_space<hbm>>) target(%dma_start3A_16 : memref<64x128xf32, #tpu.memory_space<vmem>>) offsets(%dma_start3A_18 : memref<64xi32, #tpu.memory_space<vmem>>) semaphore(%arg7 : memref<!tpu.dma_semaphore, #tpu.memory_space<semaphore_mem>>)
    %dma_start3A_22 = arith.constant 2 : i32
    %dma_start3A_23 = arith.constant 0 : i32
    %dma_start3A_24 = arith.constant 0 : i32
    %dma_start3A_25 = tpu.memref_slice %arg6[%dma_start3A_22, %dma_start3A_23, %dma_start3A_24] : memref<10x64x128xf32, #tpu.memory_space<vmem>> -> memref<1x64x128xf32, #tpu.memory_space<vmem>>
    %dma_start3A_26 = tpu.memref_squeeze %dma_start3A_25 : memref<1x64x128xf32, #tpu.memory_space<vmem>> -> memref<64x128xf32, #tpu.memory_space<vmem>>
    %dma_start3A_27 = arith.constant 128 : i32
    %dma_start3A_28 = tpu.memref_slice %arg5[%dma_start3A_27] : memref<25600xi32, #tpu.memory_space<vmem>> -> memref<64xi32, #tpu.memory_space<vmem>>
    %dma_start3A_29 = arith.constant 0 : i32
    %dma_start3A_30 = arith.constant 0 : i32
    %dma_start3A_31 = tpu.memref_slice %arg2[%dma_start3A_29, %dma_start3A_30] : memref<100000x128xf32, #tpu.memory_space<hbm>> -> memref<100000x128xf32, #tpu.memory_space<hbm>>
    tpu.enqueue_indirect_dma source(%dma_start3A_31 : memref<100000x128xf32, #tpu.memory_space<hbm>>) target(%dma_start3A_26 : memref<64x128xf32, #tpu.memory_space<vmem>>) offsets(%dma_start3A_28 : memref<64xi32, #tpu.memory_space<vmem>>) semaphore(%arg7 : memref<!tpu.dma_semaphore, #tpu.memory_space<semaphore_mem>>)
    %dma_start3A_32 = arith.constant 3 : i32
    %dma_start3A_33 = arith.constant 0 : i32
    %dma_start3A_34 = arith.constant 0 : i32
    %dma_start3A_35 = tpu.memref_slice %arg6[%dma_start3A_32, %dma_start3A_33, %dma_start3A_34] : memref<10x64x128xf32, #tpu.memory_space<vmem>> -> memref<1x64x128xf32, #tpu.memory_space<vmem>>
    %dma_start3A_36 = tpu.memref_squeeze %dma_start3A_35 : memref<1x64x128xf32, #tpu.memory_space<vmem>> -> memref<64x128xf32, #tpu.memory_space<vmem>>
    %dma_start3A_37 = arith.constant 192 : i32
    %dma_start3A_38 = tpu.memref_slice %arg5[%dma_start3A_37] : memref<25600xi32, #tpu.memory_space<vmem>> -> memref<64xi32, #tpu.memory_space<vmem>>
    %dma_start3A_39 = arith.constant 0 : i32
    %dma_start3A_40 = arith.constant 0 : i32
    %dma_start3A_41 = tpu.memref_slice %arg2[%dma_start3A_39, %dma_start3A_40] : memref<100000x128xf32, #tpu.memory_space<hbm>> -> memref<100000x128xf32, #tpu.memory_space<hbm>>
    tpu.enqueue_indirect_dma source(%dma_start3A_41 : memref<100000x128xf32, #tpu.memory_space<hbm>>) target(%dma_start3A_36 : memref<64x128xf32, #tpu.memory_space<vmem>>) offsets(%dma_start3A_38 : memref<64xi32, #tpu.memory_space<vmem>>) semaphore(%arg7 : memref<!tpu.dma_semaphore, #tpu.memory_space<semaphore_mem>>)
    %dma_start3A_42 = arith.constant 4 : i32
    %dma_start3A_43 = arith.constant 0 : i32
    %dma_start3A_44 = arith.constant 0 : i32
    %dma_start3A_45 = tpu.memref_slice %arg6[%dma_start3A_42, %dma_start3A_43, %dma_start3A_44] : memref<10x64x128xf32, #tpu.memory_space<vmem>> -> memref<1x64x128xf32, #tpu.memory_space<vmem>>
    %dma_start3A_46 = tpu.memref_squeeze %dma_start3A_45 : memref<1x64x128xf32, #tpu.memory_space<vmem>> -> memref<64x128xf32, #tpu.memory_space<vmem>>
    %dma_start3A_47 = arith.constant 256 : i32
    %dma_start3A_48 = tpu.memref_slice %arg5[%dma_start3A_47] : memref<25600xi32, #tpu.memory_space<vmem>> -> memref<64xi32, #tpu.memory_space<vmem>>
    %dma_start3A_49 = arith.constant 0 : i32
    %dma_start3A_50 = arith.constant 0 : i32
    %dma_start3A_51 = tpu.memref_slice %arg2[%dma_start3A_49, %dma_start3A_50] : memref<100000x128xf32, #tpu.memory_space<hbm>> -> memref<100000x128xf32, #tpu.memory_space<hbm>>
    tpu.enqueue_indirect_dma source(%dma_start3A_51 : memref<100000x128xf32, #tpu.memory_space<hbm>>) target(%dma_start3A_46 : memref<64x128xf32, #tpu.memory_space<vmem>>) offsets(%dma_start3A_48 : memref<64xi32, #tpu.memory_space<vmem>>) semaphore(%arg7 : memref<!tpu.dma_semaphore, #tpu.memory_space<semaphore_mem>>)
    %dma_start3A_52 = arith.constant 5 : i32
    %dma_start3A_53 = arith.constant 0 : i32
    %dma_start3A_54 = arith.constant 0 : i32
    %dma_start3A_55 = tpu.memref_slice %arg6[%dma_start3A_52, %dma_start3A_53, %dma_start3A_54] : memref<10x64x128xf32, #tpu.memory_space<vmem>> -> memref<1x64x128xf32, #tpu.memory_space<vmem>>
    %dma_start3A_56 = tpu.memref_squeeze %dma_start3A_55 : memref<1x64x128xf32, #tpu.memory_space<vmem>> -> memref<64x128xf32, #tpu.memory_space<vmem>>
    %dma_start3A_57 = arith.constant 320 : i32
    %dma_start3A_58 = tpu.memref_slice %arg5[%dma_start3A_57] : memref<25600xi32, #tpu.memory_space<vmem>> -> memref<64xi32, #tpu.memory_space<vmem>>
    %dma_start3A_59 = arith.constant 0 : i32
    %dma_start3A_60 = arith.constant 0 : i32
    %dma_start3A_61 = tpu.memref_slice %arg2[%dma_start3A_59, %dma_start3A_60] : memref<100000x128xf32, #tpu.memory_space<hbm>> -> memref<100000x128xf32, #tpu.memory_space<hbm>>
    tpu.enqueue_indirect_dma source(%dma_start3A_61 : memref<100000x128xf32, #tpu.memory_space<hbm>>) target(%dma_start3A_56 : memref<64x128xf32, #tpu.memory_space<vmem>>) offsets(%dma_start3A_58 : memref<64xi32, #tpu.memory_space<vmem>>) semaphore(%arg7 : memref<!tpu.dma_semaphore, #tpu.memory_space<semaphore_mem>>)
    %dma_start3A_62 = arith.constant 6 : i32
    %dma_start3A_63 = arith.constant 0 : i32
    %dma_start3A_64 = arith.constant 0 : i32
    %dma_start3A_65 = tpu.memref_slice %arg6[%dma_start3A_62, %dma_start3A_63, %dma_start3A_64] : memref<10x64x128xf32, #tpu.memory_space<vmem>> -> memref<1x64x128xf32, #tpu.memory_space<vmem>>
    %dma_start3A_66 = tpu.memref_squeeze %dma_start3A_65 : memref<1x64x128xf32, #tpu.memory_space<vmem>> -> memref<64x128xf32, #tpu.memory_space<vmem>>
    %dma_start3A_67 = arith.constant 384 : i32
    %dma_start3A_68 = tpu.memref_slice %arg5[%dma_start3A_67] : memref<25600xi32, #tpu.memory_space<vmem>> -> memref<64xi32, #tpu.memory_space<vmem>>
    %dma_start3A_69 = arith.constant 0 : i32
    %dma_start3A_70 = arith.constant 0 : i32
    %dma_start3A_71 = tpu.memref_slice %arg2[%dma_start3A_69, %dma_start3A_70] : memref<100000x128xf32, #tpu.memory_space<hbm>> -> memref<100000x128xf32, #tpu.memory_space<hbm>>
    tpu.enqueue_indirect_dma source(%dma_start3A_71 : memref<100000x128xf32, #tpu.memory_space<hbm>>) target(%dma_start3A_66 : memref<64x128xf32, #tpu.memory_space<vmem>>) offsets(%dma_start3A_68 : memref<64xi32, #tpu.memory_space<vmem>>) semaphore(%arg7 : memref<!tpu.dma_semaphore, #tpu.memory_space<semaphore_mem>>)
    %dma_start3A_72 = arith.constant 7 : i32
    %dma_start3A_73 = arith.constant 0 : i32
    %dma_start3A_74 = arith.constant 0 : i32
    %dma_start3A_75 = tpu.memref_slice %arg6[%dma_start3A_72, %dma_start3A_73, %dma_start3A_74] : memref<10x64x128xf32, #tpu.memory_space<vmem>> -> memref<1x64x128xf32, #tpu.memory_space<vmem>>
    %dma_start3A_76 = tpu.memref_squeeze %dma_start3A_75 : memref<1x64x128xf32, #tpu.memory_space<vmem>> -> memref<64x128xf32, #tpu.memory_space<vmem>>
    %dma_start3A_77 = arith.constant 448 : i32
    %dma_start3A_78 = tpu.memref_slice %arg5[%dma_start3A_77] : memref<25600xi32, #tpu.memory_space<vmem>> -> memref<64xi32, #tpu.memory_space<vmem>>
    %dma_start3A_79 = arith.constant 0 : i32
    %dma_start3A_80 = arith.constant 0 : i32
    %dma_start3A_81 = tpu.memref_slice %arg2[%dma_start3A_79, %dma_start3A_80] : memref<100000x128xf32, #tpu.memory_space<hbm>> -> memref<100000x128xf32, #tpu.memory_space<hbm>>
    tpu.enqueue_indirect_dma source(%dma_start3A_81 : memref<100000x128xf32, #tpu.memory_space<hbm>>) target(%dma_start3A_76 : memref<64x128xf32, #tpu.memory_space<vmem>>) offsets(%dma_start3A_78 : memref<64xi32, #tpu.memory_space<vmem>>) semaphore(%arg7 : memref<!tpu.dma_semaphore, #tpu.memory_space<semaphore_mem>>)
    %dma_start3A_82 = arith.constant 8 : i32
    %dma_start3A_83 = arith.constant 0 : i32
    %dma_start3A_84 = arith.constant 0 : i32
    %dma_start3A_85 = tpu.memref_slice %arg6[%dma_start3A_82, %dma_start3A_83, %dma_start3A_84] : memref<10x64x128xf32, #tpu.memory_space<vmem>> -> memref<1x64x128xf32, #tpu.memory_space<vmem>>
    %dma_start3A_86 = tpu.memref_squeeze %dma_start3A_85 : memref<1x64x128xf32, #tpu.memory_space<vmem>> -> memref<64x128xf32, #tpu.memory_space<vmem>>
    %dma_start3A_87 = arith.constant 512 : i32
    %dma_start3A_88 = tpu.memref_slice %arg5[%dma_start3A_87] : memref<25600xi32, #tpu.memory_space<vmem>> -> memref<64xi32, #tpu.memory_space<vmem>>
    %dma_start3A_89 = arith.constant 0 : i32
    %dma_start3A_90 = arith.constant 0 : i32
    %dma_start3A_91 = tpu.memref_slice %arg2[%dma_start3A_89, %dma_start3A_90] : memref<100000x128xf32, #tpu.memory_space<hbm>> -> memref<100000x128xf32, #tpu.memory_space<hbm>>
    tpu.enqueue_indirect_dma source(%dma_start3A_91 : memref<100000x128xf32, #tpu.memory_space<hbm>>) target(%dma_start3A_86 : memref<64x128xf32, #tpu.memory_space<vmem>>) offsets(%dma_start3A_88 : memref<64xi32, #tpu.memory_space<vmem>>) semaphore(%arg7 : memref<!tpu.dma_semaphore, #tpu.memory_space<semaphore_mem>>)
    %dma_start3A_92 = arith.constant 9 : i32
    %dma_start3A_93 = arith.constant 0 : i32
    %dma_start3A_94 = arith.constant 0 : i32
    %dma_start3A_95 = tpu.memref_slice %arg6[%dma_start3A_92, %dma_start3A_93, %dma_start3A_94] : memref<10x64x128xf32, #tpu.memory_space<vmem>> -> memref<1x64x128xf32, #tpu.memory_space<vmem>>
    %dma_start3A_96 = tpu.memref_squeeze %dma_start3A_95 : memref<1x64x128xf32, #tpu.memory_space<vmem>> -> memref<64x128xf32, #tpu.memory_space<vmem>>
    %dma_start3A_97 = arith.constant 576 : i32
    %dma_start3A_98 = tpu.memref_slice %arg5[%dma_start3A_97] : memref<25600xi32, #tpu.memory_space<vmem>> -> memref<64xi32, #tpu.memory_space<vmem>>
    %dma_start3A_99 = arith.constant 0 : i32
    %dma_start3A_100 = arith.constant 0 : i32
    %dma_start3A_101 = tpu.memref_slice %arg2[%dma_start3A_99, %dma_start3A_100] : memref<100000x128xf32, #tpu.memory_space<hbm>> -> memref<100000x128xf32, #tpu.memory_space<hbm>>
    tpu.enqueue_indirect_dma source(%dma_start3A_101 : memref<100000x128xf32, #tpu.memory_space<hbm>>) target(%dma_start3A_96 : memref<64x128xf32, #tpu.memory_space<vmem>>) offsets(%dma_start3A_98 : memref<64xi32, #tpu.memory_space<vmem>>) semaphore(%arg7 : memref<!tpu.dma_semaphore, #tpu.memory_space<semaphore_mem>>)
    %dma_wait3A = arith.constant 0 : i32
    %dma_wait3A_102 = arith.constant 0 : i32
    %dma_wait3A_103 = arith.constant 0 : i32
    %dma_wait3A_104 = tpu.memref_slice %arg6[%dma_wait3A, %dma_wait3A_102, %dma_wait3A_103] : memref<10x64x128xf32, #tpu.memory_space<vmem>> -> memref<1x64x128xf32, #tpu.memory_space<vmem>>
    %dma_wait3A_105 = tpu.memref_squeeze %dma_wait3A_104 : memref<1x64x128xf32, #tpu.memory_space<vmem>> -> memref<64x128xf32, #tpu.memory_space<vmem>>
    %dma_wait3A_106 = arith.constant 0 : i32
    %dma_wait3A_107 = tpu.memref_slice %arg5[%dma_wait3A_106] : memref<25600xi32, #tpu.memory_space<vmem>> -> memref<64xi32, #tpu.memory_space<vmem>>
    %dma_wait3A_108 = arith.constant 0 : i32
    %dma_wait3A_109 = arith.constant 0 : i32
    %dma_wait3A_110 = tpu.memref_slice %arg2[%dma_wait3A_108, %dma_wait3A_109] : memref<100000x128xf32, #tpu.memory_space<hbm>> -> memref<100000x128xf32, #tpu.memory_space<hbm>>
    tpu.wait_indirect_dma semaphore(%arg7 : memref<!tpu.dma_semaphore, #tpu.memory_space<semaphore_mem>>) src(%dma_wait3A_110 : memref<100000x128xf32, #tpu.memory_space<hbm>>) dst(%dma_wait3A_105 : memref<64x128xf32, #tpu.memory_space<vmem>>)
    %add3A_111 = arith.constant 0 : i32
    %add3A_112 = arith.addi %mul3A_2, %add3A_111 : i32
    %dma_start3A_113 = arith.constant 0 : i32
    %dma_start3A_114 = arith.constant 0 : i32
    %dma_start3A_115 = arith.constant 0 : i32
    %dma_start3A_116 = tpu.memref_slice %arg6[%dma_start3A_113, %dma_start3A_114, %dma_start3A_115] : memref<10x64x128xf32, #tpu.memory_space<vmem>> -> memref<1x64x128xf32, #tpu.memory_space<vmem>>
    %dma_start3A_117 = tpu.memref_squeeze %dma_start3A_116 : memref<1x64x128xf32, #tpu.memory_space<vmem>> -> memref<64x128xf32, #tpu.memory_space<vmem>>
    %dma_start3A_118 = arith.constant 0 : i32
    %dma_start3A_119 = tpu.memref_slice %arg4[%add3A_112, %dma_start3A_118] : memref<819200x128xf32, #tpu.memory_space<hbm>> -> memref<64x128xf32, #tpu.memory_space<hbm>>
    %dma_start3A_120 = arith.constant 0 : i32
    %dma_start3A_121 = tpu.memref_slice %arg4[%add3A_112, %dma_start3A_120] : memref<819200x128xf32, #tpu.memory_space<hbm>> -> memref<64x128xf32, #tpu.memory_space<hbm>>
    %dma_start3A_122 = arith.constant 0 : i32
    %dma_start3A_123 = arith.constant 0 : i32
    %dma_start3A_124 = tpu.memref_slice %arg6[%dma_start3A_113, %dma_start3A_122, %dma_start3A_123] : memref<10x64x128xf32, #tpu.memory_space<vmem>> -> memref<1x64x128xf32, #tpu.memory_space<vmem>>
    %dma_start3A_125 = tpu.memref_squeeze %dma_start3A_124 : memref<1x64x128xf32, #tpu.memory_space<vmem>> -> memref<64x128xf32, #tpu.memory_space<vmem>>
    tpu.enqueue_dma source(%dma_start3A_125 : memref<64x128xf32, #tpu.memory_space<vmem>>) target(%dma_start3A_121 : memref<64x128xf32, #tpu.memory_space<hbm>>) target_semaphore(%arg8 : memref<!tpu.dma_semaphore, #tpu.memory_space<semaphore_mem>>)
    %scan3A = arith.constant 0 : i32
    %scan3A_126 = arith.constant 39 : i32
    %scan3A_127 = arith.addi %scan3A, %scan3A_126 : i32
    %scan3A_128 = arith.constant 1 : i32
    scf.for %scan3A_485 = %scan3A to %scan3A_127 step %scan3A_128  : i32 {
      %mul3A_486 = arith.constant 1 : i32
      %mul3A_487 = arith.muli %scan3A_485, %mul3A_486 : i32
      %add3A_488 = arith.constant 0 : i32
      %add3A_489 = arith.addi %add3A_488, %mul3A_487 : i32
      %mul3A_490 = arith.constant 10 : i32
      %mul3A_491 = arith.muli %add3A_489, %mul3A_490 : i32
      %add3A_492 = arith.constant 1 : i32
      %add3A_493 = arith.addi %add3A_492, %mul3A_491 : i32
      %add3A_494 = arith.constant 0 : i32
      %add3A_495 = arith.addi %add3A_493, %add3A_494 : i32
      %dma_wait3A_496 = arith.constant 0 : i32
      %dma_wait3A_497 = arith.constant 0 : i32
      %dma_wait3A_498 = arith.constant 0 : i32
      %dma_wait3A_499 = tpu.memref_slice %arg6[%dma_wait3A_496, %dma_wait3A_497, %dma_wait3A_498] : memref<10x64x128xf32, #tpu.memory_space<vmem>> -> memref<1x64x128xf32, #tpu.memory_space<vmem>>
      %dma_wait3A_500 = tpu.memref_squeeze %dma_wait3A_499 : memref<1x64x128xf32, #tpu.memory_space<vmem>> -> memref<64x128xf32, #tpu.memory_space<vmem>>
      %dma_wait3A_501 = arith.constant 0 : i32
      %dma_wait3A_502 = tpu.memref_slice %arg4[%mul3A_2, %dma_wait3A_501] : memref<819200x128xf32, #tpu.memory_space<hbm>> -> memref<64x128xf32, #tpu.memory_space<hbm>>
      %dma_wait3A_503 = arith.constant 0 : i32
      %dma_wait3A_504 = tpu.memref_slice %arg4[%mul3A_2, %dma_wait3A_503] : memref<819200x128xf32, #tpu.memory_space<hbm>> -> memref<64x128xf32, #tpu.memory_space<hbm>>
      %dma_wait3A_505 = arith.constant 0 : i32
      %dma_wait3A_506 = arith.constant 0 : i32
      %dma_wait3A_507 = tpu.memref_slice %arg6[%dma_wait3A_496, %dma_wait3A_505, %dma_wait3A_506] : memref<10x64x128xf32, #tpu.memory_space<vmem>> -> memref<1x64x128xf32, #tpu.memory_space<vmem>>
      %dma_wait3A_508 = tpu.memref_squeeze %dma_wait3A_507 : memref<1x64x128xf32, #tpu.memory_space<vmem>> -> memref<64x128xf32, #tpu.memory_space<vmem>>
      tpu.wait_dma2 semaphore(%arg8 : memref<!tpu.dma_semaphore, #tpu.memory_space<semaphore_mem>>) src(%dma_wait3A_508 : memref<64x128xf32, #tpu.memory_space<vmem>>) dst(%dma_wait3A_504 : memref<64x128xf32, #tpu.memory_space<hbm>>)
      %add3A_509 = arith.constant 10 : i32
      %add3A_510 = arith.addi %add3A_495, %add3A_509 : i32
      %sub3A = arith.constant 1 : i32
      %sub3A_511 = arith.subi %add3A_510, %sub3A : i32
      %mul3A_512 = arith.constant 64 : i32
      %mul3A_513 = arith.muli %sub3A_511, %mul3A_512 : i32
      %dma_start3A_514 = arith.constant 0 : i32
      %dma_start3A_515 = arith.constant 0 : i32
      %dma_start3A_516 = arith.constant 0 : i32
      %dma_start3A_517 = tpu.memref_slice %arg6[%dma_start3A_514, %dma_start3A_515, %dma_start3A_516] : memref<10x64x128xf32, #tpu.memory_space<vmem>> -> memref<1x64x128xf32, #tpu.memory_space<vmem>>
      %dma_start3A_518 = tpu.memref_squeeze %dma_start3A_517 : memref<1x64x128xf32, #tpu.memory_space<vmem>> -> memref<64x128xf32, #tpu.memory_space<vmem>>
      %dma_start3A_519 = tpu.memref_slice %arg5[%mul3A_513] : memref<25600xi32, #tpu.memory_space<vmem>> -> memref<64xi32, #tpu.memory_space<vmem>>
      %dma_start3A_520 = arith.constant 0 : i32
      %dma_start3A_521 = arith.constant 0 : i32
      %dma_start3A_522 = tpu.memref_slice %arg2[%dma_start3A_520, %dma_start3A_521] : memref<100000x128xf32, #tpu.memory_space<hbm>> -> memref<100000x128xf32, #tpu.memory_space<hbm>>
      tpu.enqueue_indirect_dma source(%dma_start3A_522 : memref<100000x128xf32, #tpu.memory_space<hbm>>) target(%dma_start3A_518 : memref<64x128xf32, #tpu.memory_space<vmem>>) offsets(%dma_start3A_519 : memref<64xi32, #tpu.memory_space<vmem>>) semaphore(%arg7 : memref<!tpu.dma_semaphore, #tpu.memory_space<semaphore_mem>>)
      %dma_wait3A_523 = arith.constant 1 : i32
      %dma_wait3A_524 = arith.constant 0 : i32
      %dma_wait3A_525 = arith.constant 0 : i32
      %dma_wait3A_526 = tpu.memref_slice %arg6[%dma_wait3A_523, %dma_wait3A_524, %dma_wait3A_525] : memref<10x64x128xf32, #tpu.memory_space<vmem>> -> memref<1x64x128xf32, #tpu.memory_space<vmem>>
      %dma_wait3A_527 = tpu.memref_squeeze %dma_wait3A_526 : memref<1x64x128xf32, #tpu.memory_space<vmem>> -> memref<64x128xf32, #tpu.memory_space<vmem>>
      %dma_wait3A_528 = arith.constant 0 : i32
      %dma_wait3A_529 = tpu.memref_slice %arg5[%dma_wait3A_528] : memref<25600xi32, #tpu.memory_space<vmem>> -> memref<64xi32, #tpu.memory_space<vmem>>
      %dma_wait3A_530 = arith.constant 0 : i32
      %dma_wait3A_531 = arith.constant 0 : i32
      %dma_wait3A_532 = tpu.memref_slice %arg2[%dma_wait3A_530, %dma_wait3A_531] : memref<100000x128xf32, #tpu.memory_space<hbm>> -> memref<100000x128xf32, #tpu.memory_space<hbm>>
      tpu.wait_indirect_dma semaphore(%arg7 : memref<!tpu.dma_semaphore, #tpu.memory_space<semaphore_mem>>) src(%dma_wait3A_532 : memref<100000x128xf32, #tpu.memory_space<hbm>>) dst(%dma_wait3A_527 : memref<64x128xf32, #tpu.memory_space<vmem>>)
      %mul3A_533 = arith.constant 64 : i32
      %mul3A_534 = arith.muli %add3A_495, %mul3A_533 : i32
      %add3A_535 = arith.addi %mul3A_2, %mul3A_534 : i32
      %dma_start3A_536 = arith.constant 1 : i32
      %dma_start3A_537 = arith.constant 0 : i32
      %dma_start3A_538 = arith.constant 0 : i32
      %dma_start3A_539 = tpu.memref_slice %arg6[%dma_start3A_536, %dma_start3A_537, %dma_start3A_538] : memref<10x64x128xf32, #tpu.memory_space<vmem>> -> memref<1x64x128xf32, #tpu.memory_space<vmem>>
      %dma_start3A_540 = tpu.memref_squeeze %dma_start3A_539 : memref<1x64x128xf32, #tpu.memory_space<vmem>> -> memref<64x128xf32, #tpu.memory_space<vmem>>
      %dma_start3A_541 = arith.constant 0 : i32
      %dma_start3A_542 = tpu.memref_slice %arg4[%add3A_535, %dma_start3A_541] : memref<819200x128xf32, #tpu.memory_space<hbm>> -> memref<64x128xf32, #tpu.memory_space<hbm>>
      %dma_start3A_543 = arith.constant 0 : i32
      %dma_start3A_544 = tpu.memref_slice %arg4[%add3A_535, %dma_start3A_543] : memref<819200x128xf32, #tpu.memory_space<hbm>> -> memref<64x128xf32, #tpu.memory_space<hbm>>
      %dma_start3A_545 = arith.constant 0 : i32
      %dma_start3A_546 = arith.constant 0 : i32
      %dma_start3A_547 = tpu.memref_slice %arg6[%dma_start3A_536, %dma_start3A_545, %dma_start3A_546] : memref<10x64x128xf32, #tpu.memory_space<vmem>> -> memref<1x64x128xf32, #tpu.memory_space<vmem>>
      %dma_start3A_548 = tpu.memref_squeeze %dma_start3A_547 : memref<1x64x128xf32, #tpu.memory_space<vmem>> -> memref<64x128xf32, #tpu.memory_space<vmem>>
      tpu.enqueue_dma source(%dma_start3A_548 : memref<64x128xf32, #tpu.memory_space<vmem>>) target(%dma_start3A_544 : memref<64x128xf32, #tpu.memory_space<hbm>>) target_semaphore(%arg8 : memref<!tpu.dma_semaphore, #tpu.memory_space<semaphore_mem>>)
      %mul3A_549 = arith.constant 10 : i32
      %mul3A_550 = arith.muli %add3A_489, %mul3A_549 : i32
      %add3A_551 = arith.constant 1 : i32
      %add3A_552 = arith.addi %add3A_551, %mul3A_550 : i32
      %add3A_553 = arith.constant 1 : i32
      %add3A_554 = arith.addi %add3A_552, %add3A_553 : i32
      %dma_wait3A_555 = arith.constant 0 : i32
      %dma_wait3A_556 = arith.constant 0 : i32
      %dma_wait3A_557 = arith.constant 0 : i32
      %dma_wait3A_558 = tpu.memref_slice %arg6[%dma_wait3A_555, %dma_wait3A_556, %dma_wait3A_557] : memref<10x64x128xf32, #tpu.memory_space<vmem>> -> memref<1x64x128xf32, #tpu.memory_space<vmem>>
      %dma_wait3A_559 = tpu.memref_squeeze %dma_wait3A_558 : memref<1x64x128xf32, #tpu.memory_space<vmem>> -> memref<64x128xf32, #tpu.memory_space<vmem>>
      %dma_wait3A_560 = arith.constant 0 : i32
      %dma_wait3A_561 = tpu.memref_slice %arg4[%mul3A_2, %dma_wait3A_560] : memref<819200x128xf32, #tpu.memory_space<hbm>> -> memref<64x128xf32, #tpu.memory_space<hbm>>
      %dma_wait3A_562 = arith.constant 0 : i32
      %dma_wait3A_563 = tpu.memref_slice %arg4[%mul3A_2, %dma_wait3A_562] : memref<819200x128xf32, #tpu.memory_space<hbm>> -> memref<64x128xf32, #tpu.memory_space<hbm>>
      %dma_wait3A_564 = arith.constant 0 : i32
      %dma_wait3A_565 = arith.constant 0 : i32
      %dma_wait3A_566 = tpu.memref_slice %arg6[%dma_wait3A_555, %dma_wait3A_564, %dma_wait3A_565] : memref<10x64x128xf32, #tpu.memory_space<vmem>> -> memref<1x64x128xf32, #tpu.memory_space<vmem>>
      %dma_wait3A_567 = tpu.memref_squeeze %dma_wait3A_566 : memref<1x64x128xf32, #tpu.memory_space<vmem>> -> memref<64x128xf32, #tpu.memory_space<vmem>>
      tpu.wait_dma2 semaphore(%arg8 : memref<!tpu.dma_semaphore, #tpu.memory_space<semaphore_mem>>) src(%dma_wait3A_567 : memref<64x128xf32, #tpu.memory_space<vmem>>) dst(%dma_wait3A_563 : memref<64x128xf32, #tpu.memory_space<hbm>>)
      %add3A_568 = arith.constant 10 : i32
      %add3A_569 = arith.addi %add3A_554, %add3A_568 : i32
      %sub3A_570 = arith.constant 1 : i32
      %sub3A_571 = arith.subi %add3A_569, %sub3A_570 : i32
      %mul3A_572 = arith.constant 64 : i32
      %mul3A_573 = arith.muli %sub3A_571, %mul3A_572 : i32
      %dma_start3A_574 = arith.constant 1 : i32
      %dma_start3A_575 = arith.constant 0 : i32
      %dma_start3A_576 = arith.constant 0 : i32
      %dma_start3A_577 = tpu.memref_slice %arg6[%dma_start3A_574, %dma_start3A_575, %dma_start3A_576] : memref<10x64x128xf32, #tpu.memory_space<vmem>> -> memref<1x64x128xf32, #tpu.memory_space<vmem>>
      %dma_start3A_578 = tpu.memref_squeeze %dma_start3A_577 : memref<1x64x128xf32, #tpu.memory_space<vmem>> -> memref<64x128xf32, #tpu.memory_space<vmem>>
      %dma_start3A_579 = tpu.memref_slice %arg5[%mul3A_573] : memref<25600xi32, #tpu.memory_space<vmem>> -> memref<64xi32, #tpu.memory_space<vmem>>
      %dma_start3A_580 = arith.constant 0 : i32
      %dma_start3A_581 = arith.constant 0 : i32
      %dma_start3A_582 = tpu.memref_slice %arg2[%dma_start3A_580, %dma_start3A_581] : memref<100000x128xf32, #tpu.memory_space<hbm>> -> memref<100000x128xf32, #tpu.memory_space<hbm>>
      tpu.enqueue_indirect_dma source(%dma_start3A_582 : memref<100000x128xf32, #tpu.memory_space<hbm>>) target(%dma_start3A_578 : memref<64x128xf32, #tpu.memory_space<vmem>>) offsets(%dma_start3A_579 : memref<64xi32, #tpu.memory_space<vmem>>) semaphore(%arg7 : memref<!tpu.dma_semaphore, #tpu.memory_space<semaphore_mem>>)
      %dma_wait3A_583 = arith.constant 2 : i32
      %dma_wait3A_584 = arith.constant 0 : i32
      %dma_wait3A_585 = arith.constant 0 : i32
      %dma_wait3A_586 = tpu.memref_slice %arg6[%dma_wait3A_583, %dma_wait3A_584, %dma_wait3A_585] : memref<10x64x128xf32, #tpu.memory_space<vmem>> -> memref<1x64x128xf32, #tpu.memory_space<vmem>>
      %dma_wait3A_587 = tpu.memref_squeeze %dma_wait3A_586 : memref<1x64x128xf32, #tpu.memory_space<vmem>> -> memref<64x128xf32, #tpu.memory_space<vmem>>
      %dma_wait3A_588 = arith.constant 0 : i32
      %dma_wait3A_589 = tpu.memref_slice %arg5[%dma_wait3A_588] : memref<25600xi32, #tpu.memory_space<vmem>> -> memref<64xi32, #tpu.memory_space<vmem>>
      %dma_wait3A_590 = arith.constant 0 : i32
      %dma_wait3A_591 = arith.constant 0 : i32
      %dma_wait3A_592 = tpu.memref_slice %arg2[%dma_wait3A_590, %dma_wait3A_591] : memref<100000x128xf32, #tpu.memory_space<hbm>> -> memref<100000x128xf32, #tpu.memory_space<hbm>>
      tpu.wait_indirect_dma semaphore(%arg7 : memref<!tpu.dma_semaphore, #tpu.memory_space<semaphore_mem>>) src(%dma_wait3A_592 : memref<100000x128xf32, #tpu.memory_space<hbm>>) dst(%dma_wait3A_587 : memref<64x128xf32, #tpu.memory_space<vmem>>)
      %mul3A_593 = arith.constant 64 : i32
      %mul3A_594 = arith.muli %add3A_554, %mul3A_593 : i32
      %add3A_595 = arith.addi %mul3A_2, %mul3A_594 : i32
      %dma_start3A_596 = arith.constant 2 : i32
      %dma_start3A_597 = arith.constant 0 : i32
      %dma_start3A_598 = arith.constant 0 : i32
      %dma_start3A_599 = tpu.memref_slice %arg6[%dma_start3A_596, %dma_start3A_597, %dma_start3A_598] : memref<10x64x128xf32, #tpu.memory_space<vmem>> -> memref<1x64x128xf32, #tpu.memory_space<vmem>>
      %dma_start3A_600 = tpu.memref_squeeze %dma_start3A_599 : memref<1x64x128xf32, #tpu.memory_space<vmem>> -> memref<64x128xf32, #tpu.memory_space<vmem>>
      %dma_start3A_601 = arith.constant 0 : i32
      %dma_start3A_602 = tpu.memref_slice %arg4[%add3A_595, %dma_start3A_601] : memref<819200x128xf32, #tpu.memory_space<hbm>> -> memref<64x128xf32, #tpu.memory_space<hbm>>
      %dma_start3A_603 = arith.constant 0 : i32
      %dma_start3A_604 = tpu.memref_slice %arg4[%add3A_595, %dma_start3A_603] : memref<819200x128xf32, #tpu.memory_space<hbm>> -> memref<64x128xf32, #tpu.memory_space<hbm>>
      %dma_start3A_605 = arith.constant 0 : i32
      %dma_start3A_606 = arith.constant 0 : i32
      %dma_start3A_607 = tpu.memref_slice %arg6[%dma_start3A_596, %dma_start3A_605, %dma_start3A_606] : memref<10x64x128xf32, #tpu.memory_space<vmem>> -> memref<1x64x128xf32, #tpu.memory_space<vmem>>
      %dma_start3A_608 = tpu.memref_squeeze %dma_start3A_607 : memref<1x64x128xf32, #tpu.memory_space<vmem>> -> memref<64x128xf32, #tpu.memory_space<vmem>>
      tpu.enqueue_dma source(%dma_start3A_608 : memref<64x128xf32, #tpu.memory_space<vmem>>) target(%dma_start3A_604 : memref<64x128xf32, #tpu.memory_space<hbm>>) target_semaphore(%arg8 : memref<!tpu.dma_semaphore, #tpu.memory_space<semaphore_mem>>)
      %mul3A_609 = arith.constant 10 : i32
      %mul3A_610 = arith.muli %add3A_489, %mul3A_609 : i32
      %add3A_611 = arith.constant 1 : i32
      %add3A_612 = arith.addi %add3A_611, %mul3A_610 : i32
      %add3A_613 = arith.constant 2 : i32
      %add3A_614 = arith.addi %add3A_612, %add3A_613 : i32
      %dma_wait3A_615 = arith.constant 0 : i32
      %dma_wait3A_616 = arith.constant 0 : i32
      %dma_wait3A_617 = arith.constant 0 : i32
      %dma_wait3A_618 = tpu.memref_slice %arg6[%dma_wait3A_615, %dma_wait3A_616, %dma_wait3A_617] : memref<10x64x128xf32, #tpu.memory_space<vmem>> -> memref<1x64x128xf32, #tpu.memory_space<vmem>>
      %dma_wait3A_619 = tpu.memref_squeeze %dma_wait3A_618 : memref<1x64x128xf32, #tpu.memory_space<vmem>> -> memref<64x128xf32, #tpu.memory_space<vmem>>
      %dma_wait3A_620 = arith.constant 0 : i32
      %dma_wait3A_621 = tpu.memref_slice %arg4[%mul3A_2, %dma_wait3A_620] : memref<819200x128xf32, #tpu.memory_space<hbm>> -> memref<64x128xf32, #tpu.memory_space<hbm>>
      %dma_wait3A_622 = arith.constant 0 : i32
      %dma_wait3A_623 = tpu.memref_slice %arg4[%mul3A_2, %dma_wait3A_622] : memref<819200x128xf32, #tpu.memory_space<hbm>> -> memref<64x128xf32, #tpu.memory_space<hbm>>
      %dma_wait3A_624 = arith.constant 0 : i32
      %dma_wait3A_625 = arith.constant 0 : i32
      %dma_wait3A_626 = tpu.memref_slice %arg6[%dma_wait3A_615, %dma_wait3A_624, %dma_wait3A_625] : memref<10x64x128xf32, #tpu.memory_space<vmem>> -> memref<1x64x128xf32, #tpu.memory_space<vmem>>
      %dma_wait3A_627 = tpu.memref_squeeze %dma_wait3A_626 : memref<1x64x128xf32, #tpu.memory_space<vmem>> -> memref<64x128xf32, #tpu.memory_space<vmem>>
      tpu.wait_dma2 semaphore(%arg8 : memref<!tpu.dma_semaphore, #tpu.memory_space<semaphore_mem>>) src(%dma_wait3A_627 : memref<64x128xf32, #tpu.memory_space<vmem>>) dst(%dma_wait3A_623 : memref<64x128xf32, #tpu.memory_space<hbm>>)
      %add3A_628 = arith.constant 10 : i32
      %add3A_629 = arith.addi %add3A_614, %add3A_628 : i32
      %sub3A_630 = arith.constant 1 : i32
      %sub3A_631 = arith.subi %add3A_629, %sub3A_630 : i32
      %mul3A_632 = arith.constant 64 : i32
      %mul3A_633 = arith.muli %sub3A_631, %mul3A_632 : i32
      %dma_start3A_634 = arith.constant 2 : i32
      %dma_start3A_635 = arith.constant 0 : i32
      %dma_start3A_636 = arith.constant 0 : i32
      %dma_start3A_637 = tpu.memref_slice %arg6[%dma_start3A_634, %dma_start3A_635, %dma_start3A_636] : memref<10x64x128xf32, #tpu.memory_space<vmem>> -> memref<1x64x128xf32, #tpu.memory_space<vmem>>
      %dma_start3A_638 = tpu.memref_squeeze %dma_start3A_637 : memref<1x64x128xf32, #tpu.memory_space<vmem>> -> memref<64x128xf32, #tpu.memory_space<vmem>>
      %dma_start3A_639 = tpu.memref_slice %arg5[%mul3A_633] : memref<25600xi32, #tpu.memory_space<vmem>> -> memref<64xi32, #tpu.memory_space<vmem>>
      %dma_start3A_640 = arith.constant 0 : i32
      %dma_start3A_641 = arith.constant 0 : i32
      %dma_start3A_642 = tpu.memref_slice %arg2[%dma_start3A_640, %dma_start3A_641] : memref<100000x128xf32, #tpu.memory_space<hbm>> -> memref<100000x128xf32, #tpu.memory_space<hbm>>
      tpu.enqueue_indirect_dma source(%dma_start3A_642 : memref<100000x128xf32, #tpu.memory_space<hbm>>) target(%dma_start3A_638 : memref<64x128xf32, #tpu.memory_space<vmem>>) offsets(%dma_start3A_639 : memref<64xi32, #tpu.memory_space<vmem>>) semaphore(%arg7 : memref<!tpu.dma_semaphore, #tpu.memory_space<semaphore_mem>>)
      %dma_wait3A_643 = arith.constant 3 : i32
      %dma_wait3A_644 = arith.constant 0 : i32
      %dma_wait3A_645 = arith.constant 0 : i32
      %dma_wait3A_646 = tpu.memref_slice %arg6[%dma_wait3A_643, %dma_wait3A_644, %dma_wait3A_645] : memref<10x64x128xf32, #tpu.memory_space<vmem>> -> memref<1x64x128xf32, #tpu.memory_space<vmem>>
      %dma_wait3A_647 = tpu.memref_squeeze %dma_wait3A_646 : memref<1x64x128xf32, #tpu.memory_space<vmem>> -> memref<64x128xf32, #tpu.memory_space<vmem>>
      %dma_wait3A_648 = arith.constant 0 : i32
      %dma_wait3A_649 = tpu.memref_slice %arg5[%dma_wait3A_648] : memref<25600xi32, #tpu.memory_space<vmem>> -> memref<64xi32, #tpu.memory_space<vmem>>
      %dma_wait3A_650 = arith.constant 0 : i32
      %dma_wait3A_651 = arith.constant 0 : i32
      %dma_wait3A_652 = tpu.memref_slice %arg2[%dma_wait3A_650, %dma_wait3A_651] : memref<100000x128xf32, #tpu.memory_space<hbm>> -> memref<100000x128xf32, #tpu.memory_space<hbm>>
      tpu.wait_indirect_dma semaphore(%arg7 : memref<!tpu.dma_semaphore, #tpu.memory_space<semaphore_mem>>) src(%dma_wait3A_652 : memref<100000x128xf32, #tpu.memory_space<hbm>>) dst(%dma_wait3A_647 : memref<64x128xf32, #tpu.memory_space<vmem>>)
      %mul3A_653 = arith.constant 64 : i32
      %mul3A_654 = arith.muli %add3A_614, %mul3A_653 : i32
      %add3A_655 = arith.addi %mul3A_2, %mul3A_654 : i32
      %dma_start3A_656 = arith.constant 3 : i32
      %dma_start3A_657 = arith.constant 0 : i32
      %dma_start3A_658 = arith.constant 0 : i32
      %dma_start3A_659 = tpu.memref_slice %arg6[%dma_start3A_656, %dma_start3A_657, %dma_start3A_658] : memref<10x64x128xf32, #tpu.memory_space<vmem>> -> memref<1x64x128xf32, #tpu.memory_space<vmem>>
      %dma_start3A_660 = tpu.memref_squeeze %dma_start3A_659 : memref<1x64x128xf32, #tpu.memory_space<vmem>> -> memref<64x128xf32, #tpu.memory_space<vmem>>
      %dma_start3A_661 = arith.constant 0 : i32
      %dma_start3A_662 = tpu.memref_slice %arg4[%add3A_655, %dma_start3A_661] : memref<819200x128xf32, #tpu.memory_space<hbm>> -> memref<64x128xf32, #tpu.memory_space<hbm>>
      %dma_start3A_663 = arith.constant 0 : i32
      %dma_start3A_664 = tpu.memref_slice %arg4[%add3A_655, %dma_start3A_663] : memref<819200x128xf32, #tpu.memory_space<hbm>> -> memref<64x128xf32, #tpu.memory_space<hbm>>
      %dma_start3A_665 = arith.constant 0 : i32
      %dma_start3A_666 = arith.constant 0 : i32
      %dma_start3A_667 = tpu.memref_slice %arg6[%dma_start3A_656, %dma_start3A_665, %dma_start3A_666] : memref<10x64x128xf32, #tpu.memory_space<vmem>> -> memref<1x64x128xf32, #tpu.memory_space<vmem>>
      %dma_start3A_668 = tpu.memref_squeeze %dma_start3A_667 : memref<1x64x128xf32, #tpu.memory_space<vmem>> -> memref<64x128xf32, #tpu.memory_space<vmem>>
      tpu.enqueue_dma source(%dma_start3A_668 : memref<64x128xf32, #tpu.memory_space<vmem>>) target(%dma_start3A_664 : memref<64x128xf32, #tpu.memory_space<hbm>>) target_semaphore(%arg8 : memref<!tpu.dma_semaphore, #tpu.memory_space<semaphore_mem>>)
      %mul3A_669 = arith.constant 10 : i32
      %mul3A_670 = arith.muli %add3A_489, %mul3A_669 : i32
      %add3A_671 = arith.constant 1 : i32
      %add3A_672 = arith.addi %add3A_671, %mul3A_670 : i32
      %add3A_673 = arith.constant 3 : i32
      %add3A_674 = arith.addi %add3A_672, %add3A_673 : i32
      %dma_wait3A_675 = arith.constant 0 : i32
      %dma_wait3A_676 = arith.constant 0 : i32
      %dma_wait3A_677 = arith.constant 0 : i32
      %dma_wait3A_678 = tpu.memref_slice %arg6[%dma_wait3A_675, %dma_wait3A_676, %dma_wait3A_677] : memref<10x64x128xf32, #tpu.memory_space<vmem>> -> memref<1x64x128xf32, #tpu.memory_space<vmem>>
      %dma_wait3A_679 = tpu.memref_squeeze %dma_wait3A_678 : memref<1x64x128xf32, #tpu.memory_space<vmem>> -> memref<64x128xf32, #tpu.memory_space<vmem>>
      %dma_wait3A_680 = arith.constant 0 : i32
      %dma_wait3A_681 = tpu.memref_slice %arg4[%mul3A_2, %dma_wait3A_680] : memref<819200x128xf32, #tpu.memory_space<hbm>> -> memref<64x128xf32, #tpu.memory_space<hbm>>
      %dma_wait3A_682 = arith.constant 0 : i32
      %dma_wait3A_683 = tpu.memref_slice %arg4[%mul3A_2, %dma_wait3A_682] : memref<819200x128xf32, #tpu.memory_space<hbm>> -> memref<64x128xf32, #tpu.memory_space<hbm>>
      %dma_wait3A_684 = arith.constant 0 : i32
      %dma_wait3A_685 = arith.constant 0 : i32
      %dma_wait3A_686 = tpu.memref_slice %arg6[%dma_wait3A_675, %dma_wait3A_684, %dma_wait3A_685] : memref<10x64x128xf32, #tpu.memory_space<vmem>> -> memref<1x64x128xf32, #tpu.memory_space<vmem>>
      %dma_wait3A_687 = tpu.memref_squeeze %dma_wait3A_686 : memref<1x64x128xf32, #tpu.memory_space<vmem>> -> memref<64x128xf32, #tpu.memory_space<vmem>>
      tpu.wait_dma2 semaphore(%arg8 : memref<!tpu.dma_semaphore, #tpu.memory_space<semaphore_mem>>) src(%dma_wait3A_687 : memref<64x128xf32, #tpu.memory_space<vmem>>) dst(%dma_wait3A_683 : memref<64x128xf32, #tpu.memory_space<hbm>>)
      %add3A_688 = arith.constant 10 : i32
      %add3A_689 = arith.addi %add3A_674, %add3A_688 : i32
      %sub3A_690 = arith.constant 1 : i32
      %sub3A_691 = arith.subi %add3A_689, %sub3A_690 : i32
      %mul3A_692 = arith.constant 64 : i32
      %mul3A_693 = arith.muli %sub3A_691, %mul3A_692 : i32
      %dma_start3A_694 = arith.constant 3 : i32
      %dma_start3A_695 = arith.constant 0 : i32
      %dma_start3A_696 = arith.constant 0 : i32
      %dma_start3A_697 = tpu.memref_slice %arg6[%dma_start3A_694, %dma_start3A_695, %dma_start3A_696] : memref<10x64x128xf32, #tpu.memory_space<vmem>> -> memref<1x64x128xf32, #tpu.memory_space<vmem>>
      %dma_start3A_698 = tpu.memref_squeeze %dma_start3A_697 : memref<1x64x128xf32, #tpu.memory_space<vmem>> -> memref<64x128xf32, #tpu.memory_space<vmem>>
      %dma_start3A_699 = tpu.memref_slice %arg5[%mul3A_693] : memref<25600xi32, #tpu.memory_space<vmem>> -> memref<64xi32, #tpu.memory_space<vmem>>
      %dma_start3A_700 = arith.constant 0 : i32
      %dma_start3A_701 = arith.constant 0 : i32
      %dma_start3A_702 = tpu.memref_slice %arg2[%dma_start3A_700, %dma_start3A_701] : memref<100000x128xf32, #tpu.memory_space<hbm>> -> memref<100000x128xf32, #tpu.memory_space<hbm>>
      tpu.enqueue_indirect_dma source(%dma_start3A_702 : memref<100000x128xf32, #tpu.memory_space<hbm>>) target(%dma_start3A_698 : memref<64x128xf32, #tpu.memory_space<vmem>>) offsets(%dma_start3A_699 : memref<64xi32, #tpu.memory_space<vmem>>) semaphore(%arg7 : memref<!tpu.dma_semaphore, #tpu.memory_space<semaphore_mem>>)
      %dma_wait3A_703 = arith.constant 4 : i32
      %dma_wait3A_704 = arith.constant 0 : i32
      %dma_wait3A_705 = arith.constant 0 : i32
      %dma_wait3A_706 = tpu.memref_slice %arg6[%dma_wait3A_703, %dma_wait3A_704, %dma_wait3A_705] : memref<10x64x128xf32, #tpu.memory_space<vmem>> -> memref<1x64x128xf32, #tpu.memory_space<vmem>>
      %dma_wait3A_707 = tpu.memref_squeeze %dma_wait3A_706 : memref<1x64x128xf32, #tpu.memory_space<vmem>> -> memref<64x128xf32, #tpu.memory_space<vmem>>
      %dma_wait3A_708 = arith.constant 0 : i32
      %dma_wait3A_709 = tpu.memref_slice %arg5[%dma_wait3A_708] : memref<25600xi32, #tpu.memory_space<vmem>> -> memref<64xi32, #tpu.memory_space<vmem>>
      %dma_wait3A_710 = arith.constant 0 : i32
      %dma_wait3A_711 = arith.constant 0 : i32
      %dma_wait3A_712 = tpu.memref_slice %arg2[%dma_wait3A_710, %dma_wait3A_711] : memref<100000x128xf32, #tpu.memory_space<hbm>> -> memref<100000x128xf32, #tpu.memory_space<hbm>>
      tpu.wait_indirect_dma semaphore(%arg7 : memref<!tpu.dma_semaphore, #tpu.memory_space<semaphore_mem>>) src(%dma_wait3A_712 : memref<100000x128xf32, #tpu.memory_space<hbm>>) dst(%dma_wait3A_707 : memref<64x128xf32, #tpu.memory_space<vmem>>)
      %mul3A_713 = arith.constant 64 : i32
      %mul3A_714 = arith.muli %add3A_674, %mul3A_713 : i32
      %add3A_715 = arith.addi %mul3A_2, %mul3A_714 : i32
      %dma_start3A_716 = arith.constant 4 : i32
      %dma_start3A_717 = arith.constant 0 : i32
      %dma_start3A_718 = arith.constant 0 : i32
      %dma_start3A_719 = tpu.memref_slice %arg6[%dma_start3A_716, %dma_start3A_717, %dma_start3A_718] : memref<10x64x128xf32, #tpu.memory_space<vmem>> -> memref<1x64x128xf32, #tpu.memory_space<vmem>>
      %dma_start3A_720 = tpu.memref_squeeze %dma_start3A_719 : memref<1x64x128xf32, #tpu.memory_space<vmem>> -> memref<64x128xf32, #tpu.memory_space<vmem>>
      %dma_start3A_721 = arith.constant 0 : i32
      %dma_start3A_722 = tpu.memref_slice %arg4[%add3A_715, %dma_start3A_721] : memref<819200x128xf32, #tpu.memory_space<hbm>> -> memref<64x128xf32, #tpu.memory_space<hbm>>
      %dma_start3A_723 = arith.constant 0 : i32
      %dma_start3A_724 = tpu.memref_slice %arg4[%add3A_715, %dma_start3A_723] : memref<819200x128xf32, #tpu.memory_space<hbm>> -> memref<64x128xf32, #tpu.memory_space<hbm>>
      %dma_start3A_725 = arith.constant 0 : i32
      %dma_start3A_726 = arith.constant 0 : i32
      %dma_start3A_727 = tpu.memref_slice %arg6[%dma_start3A_716, %dma_start3A_725, %dma_start3A_726] : memref<10x64x128xf32, #tpu.memory_space<vmem>> -> memref<1x64x128xf32, #tpu.memory_space<vmem>>
      %dma_start3A_728 = tpu.memref_squeeze %dma_start3A_727 : memref<1x64x128xf32, #tpu.memory_space<vmem>> -> memref<64x128xf32, #tpu.memory_space<vmem>>
      tpu.enqueue_dma source(%dma_start3A_728 : memref<64x128xf32, #tpu.memory_space<vmem>>) target(%dma_start3A_724 : memref<64x128xf32, #tpu.memory_space<hbm>>) target_semaphore(%arg8 : memref<!tpu.dma_semaphore, #tpu.memory_space<semaphore_mem>>)
      %mul3A_729 = arith.constant 10 : i32
      %mul3A_730 = arith.muli %add3A_489, %mul3A_729 : i32
      %add3A_731 = arith.constant 1 : i32
      %add3A_732 = arith.addi %add3A_731, %mul3A_730 : i32
      %add3A_733 = arith.constant 4 : i32
      %add3A_734 = arith.addi %add3A_732, %add3A_733 : i32
      %dma_wait3A_735 = arith.constant 0 : i32
      %dma_wait3A_736 = arith.constant 0 : i32
      %dma_wait3A_737 = arith.constant 0 : i32
      %dma_wait3A_738 = tpu.memref_slice %arg6[%dma_wait3A_735, %dma_wait3A_736, %dma_wait3A_737] : memref<10x64x128xf32, #tpu.memory_space<vmem>> -> memref<1x64x128xf32, #tpu.memory_space<vmem>>
      %dma_wait3A_739 = tpu.memref_squeeze %dma_wait3A_738 : memref<1x64x128xf32, #tpu.memory_space<vmem>> -> memref<64x128xf32, #tpu.memory_space<vmem>>
      %dma_wait3A_740 = arith.constant 0 : i32
      %dma_wait3A_741 = tpu.memref_slice %arg4[%mul3A_2, %dma_wait3A_740] : memref<819200x128xf32, #tpu.memory_space<hbm>> -> memref<64x128xf32, #tpu.memory_space<hbm>>
      %dma_wait3A_742 = arith.constant 0 : i32
      %dma_wait3A_743 = tpu.memref_slice %arg4[%mul3A_2, %dma_wait3A_742] : memref<819200x128xf32, #tpu.memory_space<hbm>> -> memref<64x128xf32, #tpu.memory_space<hbm>>
      %dma_wait3A_744 = arith.constant 0 : i32
      %dma_wait3A_745 = arith.constant 0 : i32
      %dma_wait3A_746 = tpu.memref_slice %arg6[%dma_wait3A_735, %dma_wait3A_744, %dma_wait3A_745] : memref<10x64x128xf32, #tpu.memory_space<vmem>> -> memref<1x64x128xf32, #tpu.memory_space<vmem>>
      %dma_wait3A_747 = tpu.memref_squeeze %dma_wait3A_746 : memref<1x64x128xf32, #tpu.memory_space<vmem>> -> memref<64x128xf32, #tpu.memory_space<vmem>>
      tpu.wait_dma2 semaphore(%arg8 : memref<!tpu.dma_semaphore, #tpu.memory_space<semaphore_mem>>) src(%dma_wait3A_747 : memref<64x128xf32, #tpu.memory_space<vmem>>) dst(%dma_wait3A_743 : memref<64x128xf32, #tpu.memory_space<hbm>>)
      %add3A_748 = arith.constant 10 : i32
      %add3A_749 = arith.addi %add3A_734, %add3A_748 : i32
      %sub3A_750 = arith.constant 1 : i32
      %sub3A_751 = arith.subi %add3A_749, %sub3A_750 : i32
      %mul3A_752 = arith.constant 64 : i32
      %mul3A_753 = arith.muli %sub3A_751, %mul3A_752 : i32
      %dma_start3A_754 = arith.constant 4 : i32
      %dma_start3A_755 = arith.constant 0 : i32
      %dma_start3A_756 = arith.constant 0 : i32
      %dma_start3A_757 = tpu.memref_slice %arg6[%dma_start3A_754, %dma_start3A_755, %dma_start3A_756] : memref<10x64x128xf32, #tpu.memory_space<vmem>> -> memref<1x64x128xf32, #tpu.memory_space<vmem>>
      %dma_start3A_758 = tpu.memref_squeeze %dma_start3A_757 : memref<1x64x128xf32, #tpu.memory_space<vmem>> -> memref<64x128xf32, #tpu.memory_space<vmem>>
      %dma_start3A_759 = tpu.memref_slice %arg5[%mul3A_753] : memref<25600xi32, #tpu.memory_space<vmem>> -> memref<64xi32, #tpu.memory_space<vmem>>
      %dma_start3A_760 = arith.constant 0 : i32
      %dma_start3A_761 = arith.constant 0 : i32
      %dma_start3A_762 = tpu.memref_slice %arg2[%dma_start3A_760, %dma_start3A_761] : memref<100000x128xf32, #tpu.memory_space<hbm>> -> memref<100000x128xf32, #tpu.memory_space<hbm>>
      tpu.enqueue_indirect_dma source(%dma_start3A_762 : memref<100000x128xf32, #tpu.memory_space<hbm>>) target(%dma_start3A_758 : memref<64x128xf32, #tpu.memory_space<vmem>>) offsets(%dma_start3A_759 : memref<64xi32, #tpu.memory_space<vmem>>) semaphore(%arg7 : memref<!tpu.dma_semaphore, #tpu.memory_space<semaphore_mem>>)
      %dma_wait3A_763 = arith.constant 5 : i32
      %dma_wait3A_764 = arith.constant 0 : i32
      %dma_wait3A_765 = arith.constant 0 : i32
      %dma_wait3A_766 = tpu.memref_slice %arg6[%dma_wait3A_763, %dma_wait3A_764, %dma_wait3A_765] : memref<10x64x128xf32, #tpu.memory_space<vmem>> -> memref<1x64x128xf32, #tpu.memory_space<vmem>>
      %dma_wait3A_767 = tpu.memref_squeeze %dma_wait3A_766 : memref<1x64x128xf32, #tpu.memory_space<vmem>> -> memref<64x128xf32, #tpu.memory_space<vmem>>
      %dma_wait3A_768 = arith.constant 0 : i32
      %dma_wait3A_769 = tpu.memref_slice %arg5[%dma_wait3A_768] : memref<25600xi32, #tpu.memory_space<vmem>> -> memref<64xi32, #tpu.memory_space<vmem>>
      %dma_wait3A_770 = arith.constant 0 : i32
      %dma_wait3A_771 = arith.constant 0 : i32
      %dma_wait3A_772 = tpu.memref_slice %arg2[%dma_wait3A_770, %dma_wait3A_771] : memref<100000x128xf32, #tpu.memory_space<hbm>> -> memref<100000x128xf32, #tpu.memory_space<hbm>>
      tpu.wait_indirect_dma semaphore(%arg7 : memref<!tpu.dma_semaphore, #tpu.memory_space<semaphore_mem>>) src(%dma_wait3A_772 : memref<100000x128xf32, #tpu.memory_space<hbm>>) dst(%dma_wait3A_767 : memref<64x128xf32, #tpu.memory_space<vmem>>)
      %mul3A_773 = arith.constant 64 : i32
      %mul3A_774 = arith.muli %add3A_734, %mul3A_773 : i32
      %add3A_775 = arith.addi %mul3A_2, %mul3A_774 : i32
      %dma_start3A_776 = arith.constant 5 : i32
      %dma_start3A_777 = arith.constant 0 : i32
      %dma_start3A_778 = arith.constant 0 : i32
      %dma_start3A_779 = tpu.memref_slice %arg6[%dma_start3A_776, %dma_start3A_777, %dma_start3A_778] : memref<10x64x128xf32, #tpu.memory_space<vmem>> -> memref<1x64x128xf32, #tpu.memory_space<vmem>>
      %dma_start3A_780 = tpu.memref_squeeze %dma_start3A_779 : memref<1x64x128xf32, #tpu.memory_space<vmem>> -> memref<64x128xf32, #tpu.memory_space<vmem>>
      %dma_start3A_781 = arith.constant 0 : i32
      %dma_start3A_782 = tpu.memref_slice %arg4[%add3A_775, %dma_start3A_781] : memref<819200x128xf32, #tpu.memory_space<hbm>> -> memref<64x128xf32, #tpu.memory_space<hbm>>
      %dma_start3A_783 = arith.constant 0 : i32
      %dma_start3A_784 = tpu.memref_slice %arg4[%add3A_775, %dma_start3A_783] : memref<819200x128xf32, #tpu.memory_space<hbm>> -> memref<64x128xf32, #tpu.memory_space<hbm>>
      %dma_start3A_785 = arith.constant 0 : i32
      %dma_start3A_786 = arith.constant 0 : i32
      %dma_start3A_787 = tpu.memref_slice %arg6[%dma_start3A_776, %dma_start3A_785, %dma_start3A_786] : memref<10x64x128xf32, #tpu.memory_space<vmem>> -> memref<1x64x128xf32, #tpu.memory_space<vmem>>
      %dma_start3A_788 = tpu.memref_squeeze %dma_start3A_787 : memref<1x64x128xf32, #tpu.memory_space<vmem>> -> memref<64x128xf32, #tpu.memory_space<vmem>>
      tpu.enqueue_dma source(%dma_start3A_788 : memref<64x128xf32, #tpu.memory_space<vmem>>) target(%dma_start3A_784 : memref<64x128xf32, #tpu.memory_space<hbm>>) target_semaphore(%arg8 : memref<!tpu.dma_semaphore, #tpu.memory_space<semaphore_mem>>)
      %mul3A_789 = arith.constant 10 : i32
      %mul3A_790 = arith.muli %add3A_489, %mul3A_789 : i32
      %add3A_791 = arith.constant 1 : i32
      %add3A_792 = arith.addi %add3A_791, %mul3A_790 : i32
      %add3A_793 = arith.constant 5 : i32
      %add3A_794 = arith.addi %add3A_792, %add3A_793 : i32
      %dma_wait3A_795 = arith.constant 0 : i32
      %dma_wait3A_796 = arith.constant 0 : i32
      %dma_wait3A_797 = arith.constant 0 : i32
      %dma_wait3A_798 = tpu.memref_slice %arg6[%dma_wait3A_795, %dma_wait3A_796, %dma_wait3A_797] : memref<10x64x128xf32, #tpu.memory_space<vmem>> -> memref<1x64x128xf32, #tpu.memory_space<vmem>>
      %dma_wait3A_799 = tpu.memref_squeeze %dma_wait3A_798 : memref<1x64x128xf32, #tpu.memory_space<vmem>> -> memref<64x128xf32, #tpu.memory_space<vmem>>
      %dma_wait3A_800 = arith.constant 0 : i32
      %dma_wait3A_801 = tpu.memref_slice %arg4[%mul3A_2, %dma_wait3A_800] : memref<819200x128xf32, #tpu.memory_space<hbm>> -> memref<64x128xf32, #tpu.memory_space<hbm>>
      %dma_wait3A_802 = arith.constant 0 : i32
      %dma_wait3A_803 = tpu.memref_slice %arg4[%mul3A_2, %dma_wait3A_802] : memref<819200x128xf32, #tpu.memory_space<hbm>> -> memref<64x128xf32, #tpu.memory_space<hbm>>
      %dma_wait3A_804 = arith.constant 0 : i32
      %dma_wait3A_805 = arith.constant 0 : i32
      %dma_wait3A_806 = tpu.memref_slice %arg6[%dma_wait3A_795, %dma_wait3A_804, %dma_wait3A_805] : memref<10x64x128xf32, #tpu.memory_space<vmem>> -> memref<1x64x128xf32, #tpu.memory_space<vmem>>
      %dma_wait3A_807 = tpu.memref_squeeze %dma_wait3A_806 : memref<1x64x128xf32, #tpu.memory_space<vmem>> -> memref<64x128xf32, #tpu.memory_space<vmem>>
      tpu.wait_dma2 semaphore(%arg8 : memref<!tpu.dma_semaphore, #tpu.memory_space<semaphore_mem>>) src(%dma_wait3A_807 : memref<64x128xf32, #tpu.memory_space<vmem>>) dst(%dma_wait3A_803 : memref<64x128xf32, #tpu.memory_space<hbm>>)
      %add3A_808 = arith.constant 10 : i32
      %add3A_809 = arith.addi %add3A_794, %add3A_808 : i32
      %sub3A_810 = arith.constant 1 : i32
      %sub3A_811 = arith.subi %add3A_809, %sub3A_810 : i32
      %mul3A_812 = arith.constant 64 : i32
      %mul3A_813 = arith.muli %sub3A_811, %mul3A_812 : i32
      %dma_start3A_814 = arith.constant 5 : i32
      %dma_start3A_815 = arith.constant 0 : i32
      %dma_start3A_816 = arith.constant 0 : i32
      %dma_start3A_817 = tpu.memref_slice %arg6[%dma_start3A_814, %dma_start3A_815, %dma_start3A_816] : memref<10x64x128xf32, #tpu.memory_space<vmem>> -> memref<1x64x128xf32, #tpu.memory_space<vmem>>
      %dma_start3A_818 = tpu.memref_squeeze %dma_start3A_817 : memref<1x64x128xf32, #tpu.memory_space<vmem>> -> memref<64x128xf32, #tpu.memory_space<vmem>>
      %dma_start3A_819 = tpu.memref_slice %arg5[%mul3A_813] : memref<25600xi32, #tpu.memory_space<vmem>> -> memref<64xi32, #tpu.memory_space<vmem>>
      %dma_start3A_820 = arith.constant 0 : i32
      %dma_start3A_821 = arith.constant 0 : i32
      %dma_start3A_822 = tpu.memref_slice %arg2[%dma_start3A_820, %dma_start3A_821] : memref<100000x128xf32, #tpu.memory_space<hbm>> -> memref<100000x128xf32, #tpu.memory_space<hbm>>
      tpu.enqueue_indirect_dma source(%dma_start3A_822 : memref<100000x128xf32, #tpu.memory_space<hbm>>) target(%dma_start3A_818 : memref<64x128xf32, #tpu.memory_space<vmem>>) offsets(%dma_start3A_819 : memref<64xi32, #tpu.memory_space<vmem>>) semaphore(%arg7 : memref<!tpu.dma_semaphore, #tpu.memory_space<semaphore_mem>>)
      %dma_wait3A_823 = arith.constant 6 : i32
      %dma_wait3A_824 = arith.constant 0 : i32
      %dma_wait3A_825 = arith.constant 0 : i32
      %dma_wait3A_826 = tpu.memref_slice %arg6[%dma_wait3A_823, %dma_wait3A_824, %dma_wait3A_825] : memref<10x64x128xf32, #tpu.memory_space<vmem>> -> memref<1x64x128xf32, #tpu.memory_space<vmem>>
      %dma_wait3A_827 = tpu.memref_squeeze %dma_wait3A_826 : memref<1x64x128xf32, #tpu.memory_space<vmem>> -> memref<64x128xf32, #tpu.memory_space<vmem>>
      %dma_wait3A_828 = arith.constant 0 : i32
      %dma_wait3A_829 = tpu.memref_slice %arg5[%dma_wait3A_828] : memref<25600xi32, #tpu.memory_space<vmem>> -> memref<64xi32, #tpu.memory_space<vmem>>
      %dma_wait3A_830 = arith.constant 0 : i32
      %dma_wait3A_831 = arith.constant 0 : i32
      %dma_wait3A_832 = tpu.memref_slice %arg2[%dma_wait3A_830, %dma_wait3A_831] : memref<100000x128xf32, #tpu.memory_space<hbm>> -> memref<100000x128xf32, #tpu.memory_space<hbm>>
      tpu.wait_indirect_dma semaphore(%arg7 : memref<!tpu.dma_semaphore, #tpu.memory_space<semaphore_mem>>) src(%dma_wait3A_832 : memref<100000x128xf32, #tpu.memory_space<hbm>>) dst(%dma_wait3A_827 : memref<64x128xf32, #tpu.memory_space<vmem>>)
      %mul3A_833 = arith.constant 64 : i32
      %mul3A_834 = arith.muli %add3A_794, %mul3A_833 : i32
      %add3A_835 = arith.addi %mul3A_2, %mul3A_834 : i32
      %dma_start3A_836 = arith.constant 6 : i32
      %dma_start3A_837 = arith.constant 0 : i32
      %dma_start3A_838 = arith.constant 0 : i32
      %dma_start3A_839 = tpu.memref_slice %arg6[%dma_start3A_836, %dma_start3A_837, %dma_start3A_838] : memref<10x64x128xf32, #tpu.memory_space<vmem>> -> memref<1x64x128xf32, #tpu.memory_space<vmem>>
      %dma_start3A_840 = tpu.memref_squeeze %dma_start3A_839 : memref<1x64x128xf32, #tpu.memory_space<vmem>> -> memref<64x128xf32, #tpu.memory_space<vmem>>
      %dma_start3A_841 = arith.constant 0 : i32
      %dma_start3A_842 = tpu.memref_slice %arg4[%add3A_835, %dma_start3A_841] : memref<819200x128xf32, #tpu.memory_space<hbm>> -> memref<64x128xf32, #tpu.memory_space<hbm>>
      %dma_start3A_843 = arith.constant 0 : i32
      %dma_start3A_844 = tpu.memref_slice %arg4[%add3A_835, %dma_start3A_843] : memref<819200x128xf32, #tpu.memory_space<hbm>> -> memref<64x128xf32, #tpu.memory_space<hbm>>
      %dma_start3A_845 = arith.constant 0 : i32
      %dma_start3A_846 = arith.constant 0 : i32
      %dma_start3A_847 = tpu.memref_slice %arg6[%dma_start3A_836, %dma_start3A_845, %dma_start3A_846] : memref<10x64x128xf32, #tpu.memory_space<vmem>> -> memref<1x64x128xf32, #tpu.memory_space<vmem>>
      %dma_start3A_848 = tpu.memref_squeeze %dma_start3A_847 : memref<1x64x128xf32, #tpu.memory_space<vmem>> -> memref<64x128xf32, #tpu.memory_space<vmem>>
      tpu.enqueue_dma source(%dma_start3A_848 : memref<64x128xf32, #tpu.memory_space<vmem>>) target(%dma_start3A_844 : memref<64x128xf32, #tpu.memory_space<hbm>>) target_semaphore(%arg8 : memref<!tpu.dma_semaphore, #tpu.memory_space<semaphore_mem>>)
      %mul3A_849 = arith.constant 10 : i32
      %mul3A_850 = arith.muli %add3A_489, %mul3A_849 : i32
      %add3A_851 = arith.constant 1 : i32
      %add3A_852 = arith.addi %add3A_851, %mul3A_850 : i32
      %add3A_853 = arith.constant 6 : i32
      %add3A_854 = arith.addi %add3A_852, %add3A_853 : i32
      %dma_wait3A_855 = arith.constant 0 : i32
      %dma_wait3A_856 = arith.constant 0 : i32
      %dma_wait3A_857 = arith.constant 0 : i32
      %dma_wait3A_858 = tpu.memref_slice %arg6[%dma_wait3A_855, %dma_wait3A_856, %dma_wait3A_857] : memref<10x64x128xf32, #tpu.memory_space<vmem>> -> memref<1x64x128xf32, #tpu.memory_space<vmem>>
      %dma_wait3A_859 = tpu.memref_squeeze %dma_wait3A_858 : memref<1x64x128xf32, #tpu.memory_space<vmem>> -> memref<64x128xf32, #tpu.memory_space<vmem>>
      %dma_wait3A_860 = arith.constant 0 : i32
      %dma_wait3A_861 = tpu.memref_slice %arg4[%mul3A_2, %dma_wait3A_860] : memref<819200x128xf32, #tpu.memory_space<hbm>> -> memref<64x128xf32, #tpu.memory_space<hbm>>
      %dma_wait3A_862 = arith.constant 0 : i32
      %dma_wait3A_863 = tpu.memref_slice %arg4[%mul3A_2, %dma_wait3A_862] : memref<819200x128xf32, #tpu.memory_space<hbm>> -> memref<64x128xf32, #tpu.memory_space<hbm>>
      %dma_wait3A_864 = arith.constant 0 : i32
      %dma_wait3A_865 = arith.constant 0 : i32
      %dma_wait3A_866 = tpu.memref_slice %arg6[%dma_wait3A_855, %dma_wait3A_864, %dma_wait3A_865] : memref<10x64x128xf32, #tpu.memory_space<vmem>> -> memref<1x64x128xf32, #tpu.memory_space<vmem>>
      %dma_wait3A_867 = tpu.memref_squeeze %dma_wait3A_866 : memref<1x64x128xf32, #tpu.memory_space<vmem>> -> memref<64x128xf32, #tpu.memory_space<vmem>>
      tpu.wait_dma2 semaphore(%arg8 : memref<!tpu.dma_semaphore, #tpu.memory_space<semaphore_mem>>) src(%dma_wait3A_867 : memref<64x128xf32, #tpu.memory_space<vmem>>) dst(%dma_wait3A_863 : memref<64x128xf32, #tpu.memory_space<hbm>>)
      %add3A_868 = arith.constant 10 : i32
      %add3A_869 = arith.addi %add3A_854, %add3A_868 : i32
      %sub3A_870 = arith.constant 1 : i32
      %sub3A_871 = arith.subi %add3A_869, %sub3A_870 : i32
      %mul3A_872 = arith.constant 64 : i32
      %mul3A_873 = arith.muli %sub3A_871, %mul3A_872 : i32
      %dma_start3A_874 = arith.constant 6 : i32
      %dma_start3A_875 = arith.constant 0 : i32
      %dma_start3A_876 = arith.constant 0 : i32
      %dma_start3A_877 = tpu.memref_slice %arg6[%dma_start3A_874, %dma_start3A_875, %dma_start3A_876] : memref<10x64x128xf32, #tpu.memory_space<vmem>> -> memref<1x64x128xf32, #tpu.memory_space<vmem>>
      %dma_start3A_878 = tpu.memref_squeeze %dma_start3A_877 : memref<1x64x128xf32, #tpu.memory_space<vmem>> -> memref<64x128xf32, #tpu.memory_space<vmem>>
      %dma_start3A_879 = tpu.memref_slice %arg5[%mul3A_873] : memref<25600xi32, #tpu.memory_space<vmem>> -> memref<64xi32, #tpu.memory_space<vmem>>
      %dma_start3A_880 = arith.constant 0 : i32
      %dma_start3A_881 = arith.constant 0 : i32
      %dma_start3A_882 = tpu.memref_slice %arg2[%dma_start3A_880, %dma_start3A_881] : memref<100000x128xf32, #tpu.memory_space<hbm>> -> memref<100000x128xf32, #tpu.memory_space<hbm>>
      tpu.enqueue_indirect_dma source(%dma_start3A_882 : memref<100000x128xf32, #tpu.memory_space<hbm>>) target(%dma_start3A_878 : memref<64x128xf32, #tpu.memory_space<vmem>>) offsets(%dma_start3A_879 : memref<64xi32, #tpu.memory_space<vmem>>) semaphore(%arg7 : memref<!tpu.dma_semaphore, #tpu.memory_space<semaphore_mem>>)
      %dma_wait3A_883 = arith.constant 7 : i32
      %dma_wait3A_884 = arith.constant 0 : i32
      %dma_wait3A_885 = arith.constant 0 : i32
      %dma_wait3A_886 = tpu.memref_slice %arg6[%dma_wait3A_883, %dma_wait3A_884, %dma_wait3A_885] : memref<10x64x128xf32, #tpu.memory_space<vmem>> -> memref<1x64x128xf32, #tpu.memory_space<vmem>>
      %dma_wait3A_887 = tpu.memref_squeeze %dma_wait3A_886 : memref<1x64x128xf32, #tpu.memory_space<vmem>> -> memref<64x128xf32, #tpu.memory_space<vmem>>
      %dma_wait3A_888 = arith.constant 0 : i32
      %dma_wait3A_889 = tpu.memref_slice %arg5[%dma_wait3A_888] : memref<25600xi32, #tpu.memory_space<vmem>> -> memref<64xi32, #tpu.memory_space<vmem>>
      %dma_wait3A_890 = arith.constant 0 : i32
      %dma_wait3A_891 = arith.constant 0 : i32
      %dma_wait3A_892 = tpu.memref_slice %arg2[%dma_wait3A_890, %dma_wait3A_891] : memref<100000x128xf32, #tpu.memory_space<hbm>> -> memref<100000x128xf32, #tpu.memory_space<hbm>>
      tpu.wait_indirect_dma semaphore(%arg7 : memref<!tpu.dma_semaphore, #tpu.memory_space<semaphore_mem>>) src(%dma_wait3A_892 : memref<100000x128xf32, #tpu.memory_space<hbm>>) dst(%dma_wait3A_887 : memref<64x128xf32, #tpu.memory_space<vmem>>)
      %mul3A_893 = arith.constant 64 : i32
      %mul3A_894 = arith.muli %add3A_854, %mul3A_893 : i32
      %add3A_895 = arith.addi %mul3A_2, %mul3A_894 : i32
      %dma_start3A_896 = arith.constant 7 : i32
      %dma_start3A_897 = arith.constant 0 : i32
      %dma_start3A_898 = arith.constant 0 : i32
      %dma_start3A_899 = tpu.memref_slice %arg6[%dma_start3A_896, %dma_start3A_897, %dma_start3A_898] : memref<10x64x128xf32, #tpu.memory_space<vmem>> -> memref<1x64x128xf32, #tpu.memory_space<vmem>>
      %dma_start3A_900 = tpu.memref_squeeze %dma_start3A_899 : memref<1x64x128xf32, #tpu.memory_space<vmem>> -> memref<64x128xf32, #tpu.memory_space<vmem>>
      %dma_start3A_901 = arith.constant 0 : i32
      %dma_start3A_902 = tpu.memref_slice %arg4[%add3A_895, %dma_start3A_901] : memref<819200x128xf32, #tpu.memory_space<hbm>> -> memref<64x128xf32, #tpu.memory_space<hbm>>
      %dma_start3A_903 = arith.constant 0 : i32
      %dma_start3A_904 = tpu.memref_slice %arg4[%add3A_895, %dma_start3A_903] : memref<819200x128xf32, #tpu.memory_space<hbm>> -> memref<64x128xf32, #tpu.memory_space<hbm>>
      %dma_start3A_905 = arith.constant 0 : i32
      %dma_start3A_906 = arith.constant 0 : i32
      %dma_start3A_907 = tpu.memref_slice %arg6[%dma_start3A_896, %dma_start3A_905, %dma_start3A_906] : memref<10x64x128xf32, #tpu.memory_space<vmem>> -> memref<1x64x128xf32, #tpu.memory_space<vmem>>
      %dma_start3A_908 = tpu.memref_squeeze %dma_start3A_907 : memref<1x64x128xf32, #tpu.memory_space<vmem>> -> memref<64x128xf32, #tpu.memory_space<vmem>>
      tpu.enqueue_dma source(%dma_start3A_908 : memref<64x128xf32, #tpu.memory_space<vmem>>) target(%dma_start3A_904 : memref<64x128xf32, #tpu.memory_space<hbm>>) target_semaphore(%arg8 : memref<!tpu.dma_semaphore, #tpu.memory_space<semaphore_mem>>)
      %mul3A_909 = arith.constant 10 : i32
      %mul3A_910 = arith.muli %add3A_489, %mul3A_909 : i32
      %add3A_911 = arith.constant 1 : i32
      %add3A_912 = arith.addi %add3A_911, %mul3A_910 : i32
      %add3A_913 = arith.constant 7 : i32
      %add3A_914 = arith.addi %add3A_912, %add3A_913 : i32
      %dma_wait3A_915 = arith.constant 0 : i32
      %dma_wait3A_916 = arith.constant 0 : i32
      %dma_wait3A_917 = arith.constant 0 : i32
      %dma_wait3A_918 = tpu.memref_slice %arg6[%dma_wait3A_915, %dma_wait3A_916, %dma_wait3A_917] : memref<10x64x128xf32, #tpu.memory_space<vmem>> -> memref<1x64x128xf32, #tpu.memory_space<vmem>>
      %dma_wait3A_919 = tpu.memref_squeeze %dma_wait3A_918 : memref<1x64x128xf32, #tpu.memory_space<vmem>> -> memref<64x128xf32, #tpu.memory_space<vmem>>
      %dma_wait3A_920 = arith.constant 0 : i32
      %dma_wait3A_921 = tpu.memref_slice %arg4[%mul3A_2, %dma_wait3A_920] : memref<819200x128xf32, #tpu.memory_space<hbm>> -> memref<64x128xf32, #tpu.memory_space<hbm>>
      %dma_wait3A_922 = arith.constant 0 : i32
      %dma_wait3A_923 = tpu.memref_slice %arg4[%mul3A_2, %dma_wait3A_922] : memref<819200x128xf32, #tpu.memory_space<hbm>> -> memref<64x128xf32, #tpu.memory_space<hbm>>
      %dma_wait3A_924 = arith.constant 0 : i32
      %dma_wait3A_925 = arith.constant 0 : i32
      %dma_wait3A_926 = tpu.memref_slice %arg6[%dma_wait3A_915, %dma_wait3A_924, %dma_wait3A_925] : memref<10x64x128xf32, #tpu.memory_space<vmem>> -> memref<1x64x128xf32, #tpu.memory_space<vmem>>
      %dma_wait3A_927 = tpu.memref_squeeze %dma_wait3A_926 : memref<1x64x128xf32, #tpu.memory_space<vmem>> -> memref<64x128xf32, #tpu.memory_space<vmem>>
      tpu.wait_dma2 semaphore(%arg8 : memref<!tpu.dma_semaphore, #tpu.memory_space<semaphore_mem>>) src(%dma_wait3A_927 : memref<64x128xf32, #tpu.memory_space<vmem>>) dst(%dma_wait3A_923 : memref<64x128xf32, #tpu.memory_space<hbm>>)
      %add3A_928 = arith.constant 10 : i32
      %add3A_929 = arith.addi %add3A_914, %add3A_928 : i32
      %sub3A_930 = arith.constant 1 : i32
      %sub3A_931 = arith.subi %add3A_929, %sub3A_930 : i32
      %mul3A_932 = arith.constant 64 : i32
      %mul3A_933 = arith.muli %sub3A_931, %mul3A_932 : i32
      %dma_start3A_934 = arith.constant 7 : i32
      %dma_start3A_935 = arith.constant 0 : i32
      %dma_start3A_936 = arith.constant 0 : i32
      %dma_start3A_937 = tpu.memref_slice %arg6[%dma_start3A_934, %dma_start3A_935, %dma_start3A_936] : memref<10x64x128xf32, #tpu.memory_space<vmem>> -> memref<1x64x128xf32, #tpu.memory_space<vmem>>
      %dma_start3A_938 = tpu.memref_squeeze %dma_start3A_937 : memref<1x64x128xf32, #tpu.memory_space<vmem>> -> memref<64x128xf32, #tpu.memory_space<vmem>>
      %dma_start3A_939 = tpu.memref_slice %arg5[%mul3A_933] : memref<25600xi32, #tpu.memory_space<vmem>> -> memref<64xi32, #tpu.memory_space<vmem>>
      %dma_start3A_940 = arith.constant 0 : i32
      %dma_start3A_941 = arith.constant 0 : i32
      %dma_start3A_942 = tpu.memref_slice %arg2[%dma_start3A_940, %dma_start3A_941] : memref<100000x128xf32, #tpu.memory_space<hbm>> -> memref<100000x128xf32, #tpu.memory_space<hbm>>
      tpu.enqueue_indirect_dma source(%dma_start3A_942 : memref<100000x128xf32, #tpu.memory_space<hbm>>) target(%dma_start3A_938 : memref<64x128xf32, #tpu.memory_space<vmem>>) offsets(%dma_start3A_939 : memref<64xi32, #tpu.memory_space<vmem>>) semaphore(%arg7 : memref<!tpu.dma_semaphore, #tpu.memory_space<semaphore_mem>>)
      %dma_wait3A_943 = arith.constant 8 : i32
      %dma_wait3A_944 = arith.constant 0 : i32
      %dma_wait3A_945 = arith.constant 0 : i32
      %dma_wait3A_946 = tpu.memref_slice %arg6[%dma_wait3A_943, %dma_wait3A_944, %dma_wait3A_945] : memref<10x64x128xf32, #tpu.memory_space<vmem>> -> memref<1x64x128xf32, #tpu.memory_space<vmem>>
      %dma_wait3A_947 = tpu.memref_squeeze %dma_wait3A_946 : memref<1x64x128xf32, #tpu.memory_space<vmem>> -> memref<64x128xf32, #tpu.memory_space<vmem>>
      %dma_wait3A_948 = arith.constant 0 : i32
      %dma_wait3A_949 = tpu.memref_slice %arg5[%dma_wait3A_948] : memref<25600xi32, #tpu.memory_space<vmem>> -> memref<64xi32, #tpu.memory_space<vmem>>
      %dma_wait3A_950 = arith.constant 0 : i32
      %dma_wait3A_951 = arith.constant 0 : i32
      %dma_wait3A_952 = tpu.memref_slice %arg2[%dma_wait3A_950, %dma_wait3A_951] : memref<100000x128xf32, #tpu.memory_space<hbm>> -> memref<100000x128xf32, #tpu.memory_space<hbm>>
      tpu.wait_indirect_dma semaphore(%arg7 : memref<!tpu.dma_semaphore, #tpu.memory_space<semaphore_mem>>) src(%dma_wait3A_952 : memref<100000x128xf32, #tpu.memory_space<hbm>>) dst(%dma_wait3A_947 : memref<64x128xf32, #tpu.memory_space<vmem>>)
      %mul3A_953 = arith.constant 64 : i32
      %mul3A_954 = arith.muli %add3A_914, %mul3A_953 : i32
      %add3A_955 = arith.addi %mul3A_2, %mul3A_954 : i32
      %dma_start3A_956 = arith.constant 8 : i32
      %dma_start3A_957 = arith.constant 0 : i32
      %dma_start3A_958 = arith.constant 0 : i32
      %dma_start3A_959 = tpu.memref_slice %arg6[%dma_start3A_956, %dma_start3A_957, %dma_start3A_958] : memref<10x64x128xf32, #tpu.memory_space<vmem>> -> memref<1x64x128xf32, #tpu.memory_space<vmem>>
      %dma_start3A_960 = tpu.memref_squeeze %dma_start3A_959 : memref<1x64x128xf32, #tpu.memory_space<vmem>> -> memref<64x128xf32, #tpu.memory_space<vmem>>
      %dma_start3A_961 = arith.constant 0 : i32
      %dma_start3A_962 = tpu.memref_slice %arg4[%add3A_955, %dma_start3A_961] : memref<819200x128xf32, #tpu.memory_space<hbm>> -> memref<64x128xf32, #tpu.memory_space<hbm>>
      %dma_start3A_963 = arith.constant 0 : i32
      %dma_start3A_964 = tpu.memref_slice %arg4[%add3A_955, %dma_start3A_963] : memref<819200x128xf32, #tpu.memory_space<hbm>> -> memref<64x128xf32, #tpu.memory_space<hbm>>
      %dma_start3A_965 = arith.constant 0 : i32
      %dma_start3A_966 = arith.constant 0 : i32
      %dma_start3A_967 = tpu.memref_slice %arg6[%dma_start3A_956, %dma_start3A_965, %dma_start3A_966] : memref<10x64x128xf32, #tpu.memory_space<vmem>> -> memref<1x64x128xf32, #tpu.memory_space<vmem>>
      %dma_start3A_968 = tpu.memref_squeeze %dma_start3A_967 : memref<1x64x128xf32, #tpu.memory_space<vmem>> -> memref<64x128xf32, #tpu.memory_space<vmem>>
      tpu.enqueue_dma source(%dma_start3A_968 : memref<64x128xf32, #tpu.memory_space<vmem>>) target(%dma_start3A_964 : memref<64x128xf32, #tpu.memory_space<hbm>>) target_semaphore(%arg8 : memref<!tpu.dma_semaphore, #tpu.memory_space<semaphore_mem>>)
      %mul3A_969 = arith.constant 10 : i32
      %mul3A_970 = arith.muli %add3A_489, %mul3A_969 : i32
      %add3A_971 = arith.constant 1 : i32
      %add3A_972 = arith.addi %add3A_971, %mul3A_970 : i32
      %add3A_973 = arith.constant 8 : i32
      %add3A_974 = arith.addi %add3A_972, %add3A_973 : i32
      %dma_wait3A_975 = arith.constant 0 : i32
      %dma_wait3A_976 = arith.constant 0 : i32
      %dma_wait3A_977 = arith.constant 0 : i32
      %dma_wait3A_978 = tpu.memref_slice %arg6[%dma_wait3A_975, %dma_wait3A_976, %dma_wait3A_977] : memref<10x64x128xf32, #tpu.memory_space<vmem>> -> memref<1x64x128xf32, #tpu.memory_space<vmem>>
      %dma_wait3A_979 = tpu.memref_squeeze %dma_wait3A_978 : memref<1x64x128xf32, #tpu.memory_space<vmem>> -> memref<64x128xf32, #tpu.memory_space<vmem>>
      %dma_wait3A_980 = arith.constant 0 : i32
      %dma_wait3A_981 = tpu.memref_slice %arg4[%mul3A_2, %dma_wait3A_980] : memref<819200x128xf32, #tpu.memory_space<hbm>> -> memref<64x128xf32, #tpu.memory_space<hbm>>
      %dma_wait3A_982 = arith.constant 0 : i32
      %dma_wait3A_983 = tpu.memref_slice %arg4[%mul3A_2, %dma_wait3A_982] : memref<819200x128xf32, #tpu.memory_space<hbm>> -> memref<64x128xf32, #tpu.memory_space<hbm>>
      %dma_wait3A_984 = arith.constant 0 : i32
      %dma_wait3A_985 = arith.constant 0 : i32
      %dma_wait3A_986 = tpu.memref_slice %arg6[%dma_wait3A_975, %dma_wait3A_984, %dma_wait3A_985] : memref<10x64x128xf32, #tpu.memory_space<vmem>> -> memref<1x64x128xf32, #tpu.memory_space<vmem>>
      %dma_wait3A_987 = tpu.memref_squeeze %dma_wait3A_986 : memref<1x64x128xf32, #tpu.memory_space<vmem>> -> memref<64x128xf32, #tpu.memory_space<vmem>>
      tpu.wait_dma2 semaphore(%arg8 : memref<!tpu.dma_semaphore, #tpu.memory_space<semaphore_mem>>) src(%dma_wait3A_987 : memref<64x128xf32, #tpu.memory_space<vmem>>) dst(%dma_wait3A_983 : memref<64x128xf32, #tpu.memory_space<hbm>>)
      %add3A_988 = arith.constant 10 : i32
      %add3A_989 = arith.addi %add3A_974, %add3A_988 : i32
      %sub3A_990 = arith.constant 1 : i32
      %sub3A_991 = arith.subi %add3A_989, %sub3A_990 : i32
      %mul3A_992 = arith.constant 64 : i32
      %mul3A_993 = arith.muli %sub3A_991, %mul3A_992 : i32
      %dma_start3A_994 = arith.constant 8 : i32
      %dma_start3A_995 = arith.constant 0 : i32
      %dma_start3A_996 = arith.constant 0 : i32
      %dma_start3A_997 = tpu.memref_slice %arg6[%dma_start3A_994, %dma_start3A_995, %dma_start3A_996] : memref<10x64x128xf32, #tpu.memory_space<vmem>> -> memref<1x64x128xf32, #tpu.memory_space<vmem>>
      %dma_start3A_998 = tpu.memref_squeeze %dma_start3A_997 : memref<1x64x128xf32, #tpu.memory_space<vmem>> -> memref<64x128xf32, #tpu.memory_space<vmem>>
      %dma_start3A_999 = tpu.memref_slice %arg5[%mul3A_993] : memref<25600xi32, #tpu.memory_space<vmem>> -> memref<64xi32, #tpu.memory_space<vmem>>
      %dma_start3A_1000 = arith.constant 0 : i32
      %dma_start3A_1001 = arith.constant 0 : i32
      %dma_start3A_1002 = tpu.memref_slice %arg2[%dma_start3A_1000, %dma_start3A_1001] : memref<100000x128xf32, #tpu.memory_space<hbm>> -> memref<100000x128xf32, #tpu.memory_space<hbm>>
      tpu.enqueue_indirect_dma source(%dma_start3A_1002 : memref<100000x128xf32, #tpu.memory_space<hbm>>) target(%dma_start3A_998 : memref<64x128xf32, #tpu.memory_space<vmem>>) offsets(%dma_start3A_999 : memref<64xi32, #tpu.memory_space<vmem>>) semaphore(%arg7 : memref<!tpu.dma_semaphore, #tpu.memory_space<semaphore_mem>>)
      %dma_wait3A_1003 = arith.constant 9 : i32
      %dma_wait3A_1004 = arith.constant 0 : i32
      %dma_wait3A_1005 = arith.constant 0 : i32
      %dma_wait3A_1006 = tpu.memref_slice %arg6[%dma_wait3A_1003, %dma_wait3A_1004, %dma_wait3A_1005] : memref<10x64x128xf32, #tpu.memory_space<vmem>> -> memref<1x64x128xf32, #tpu.memory_space<vmem>>
      %dma_wait3A_1007 = tpu.memref_squeeze %dma_wait3A_1006 : memref<1x64x128xf32, #tpu.memory_space<vmem>> -> memref<64x128xf32, #tpu.memory_space<vmem>>
      %dma_wait3A_1008 = arith.constant 0 : i32
      %dma_wait3A_1009 = tpu.memref_slice %arg5[%dma_wait3A_1008] : memref<25600xi32, #tpu.memory_space<vmem>> -> memref<64xi32, #tpu.memory_space<vmem>>
      %dma_wait3A_1010 = arith.constant 0 : i32
      %dma_wait3A_1011 = arith.constant 0 : i32
      %dma_wait3A_1012 = tpu.memref_slice %arg2[%dma_wait3A_1010, %dma_wait3A_1011] : memref<100000x128xf32, #tpu.memory_space<hbm>> -> memref<100000x128xf32, #tpu.memory_space<hbm>>
      tpu.wait_indirect_dma semaphore(%arg7 : memref<!tpu.dma_semaphore, #tpu.memory_space<semaphore_mem>>) src(%dma_wait3A_1012 : memref<100000x128xf32, #tpu.memory_space<hbm>>) dst(%dma_wait3A_1007 : memref<64x128xf32, #tpu.memory_space<vmem>>)
      %mul3A_1013 = arith.constant 64 : i32
      %mul3A_1014 = arith.muli %add3A_974, %mul3A_1013 : i32
      %add3A_1015 = arith.addi %mul3A_2, %mul3A_1014 : i32
      %dma_start3A_1016 = arith.constant 9 : i32
      %dma_start3A_1017 = arith.constant 0 : i32
      %dma_start3A_1018 = arith.constant 0 : i32
      %dma_start3A_1019 = tpu.memref_slice %arg6[%dma_start3A_1016, %dma_start3A_1017, %dma_start3A_1018] : memref<10x64x128xf32, #tpu.memory_space<vmem>> -> memref<1x64x128xf32, #tpu.memory_space<vmem>>
      %dma_start3A_1020 = tpu.memref_squeeze %dma_start3A_1019 : memref<1x64x128xf32, #tpu.memory_space<vmem>> -> memref<64x128xf32, #tpu.memory_space<vmem>>
      %dma_start3A_1021 = arith.constant 0 : i32
      %dma_start3A_1022 = tpu.memref_slice %arg4[%add3A_1015, %dma_start3A_1021] : memref<819200x128xf32, #tpu.memory_space<hbm>> -> memref<64x128xf32, #tpu.memory_space<hbm>>
      %dma_start3A_1023 = arith.constant 0 : i32
      %dma_start3A_1024 = tpu.memref_slice %arg4[%add3A_1015, %dma_start3A_1023] : memref<819200x128xf32, #tpu.memory_space<hbm>> -> memref<64x128xf32, #tpu.memory_space<hbm>>
      %dma_start3A_1025 = arith.constant 0 : i32
      %dma_start3A_1026 = arith.constant 0 : i32
      %dma_start3A_1027 = tpu.memref_slice %arg6[%dma_start3A_1016, %dma_start3A_1025, %dma_start3A_1026] : memref<10x64x128xf32, #tpu.memory_space<vmem>> -> memref<1x64x128xf32, #tpu.memory_space<vmem>>
      %dma_start3A_1028 = tpu.memref_squeeze %dma_start3A_1027 : memref<1x64x128xf32, #tpu.memory_space<vmem>> -> memref<64x128xf32, #tpu.memory_space<vmem>>
      tpu.enqueue_dma source(%dma_start3A_1028 : memref<64x128xf32, #tpu.memory_space<vmem>>) target(%dma_start3A_1024 : memref<64x128xf32, #tpu.memory_space<hbm>>) target_semaphore(%arg8 : memref<!tpu.dma_semaphore, #tpu.memory_space<semaphore_mem>>)
      %mul3A_1029 = arith.constant 10 : i32
      %mul3A_1030 = arith.muli %add3A_489, %mul3A_1029 : i32
      %add3A_1031 = arith.constant 1 : i32
      %add3A_1032 = arith.addi %add3A_1031, %mul3A_1030 : i32
      %add3A_1033 = arith.constant 9 : i32
      %add3A_1034 = arith.addi %add3A_1032, %add3A_1033 : i32
      %dma_wait3A_1035 = arith.constant 0 : i32
      %dma_wait3A_1036 = arith.constant 0 : i32
      %dma_wait3A_1037 = arith.constant 0 : i32
      %dma_wait3A_1038 = tpu.memref_slice %arg6[%dma_wait3A_1035, %dma_wait3A_1036, %dma_wait3A_1037] : memref<10x64x128xf32, #tpu.memory_space<vmem>> -> memref<1x64x128xf32, #tpu.memory_space<vmem>>
      %dma_wait3A_1039 = tpu.memref_squeeze %dma_wait3A_1038 : memref<1x64x128xf32, #tpu.memory_space<vmem>> -> memref<64x128xf32, #tpu.memory_space<vmem>>
      %dma_wait3A_1040 = arith.constant 0 : i32
      %dma_wait3A_1041 = tpu.memref_slice %arg4[%mul3A_2, %dma_wait3A_1040] : memref<819200x128xf32, #tpu.memory_space<hbm>> -> memref<64x128xf32, #tpu.memory_space<hbm>>
      %dma_wait3A_1042 = arith.constant 0 : i32
      %dma_wait3A_1043 = tpu.memref_slice %arg4[%mul3A_2, %dma_wait3A_1042] : memref<819200x128xf32, #tpu.memory_space<hbm>> -> memref<64x128xf32, #tpu.memory_space<hbm>>
      %dma_wait3A_1044 = arith.constant 0 : i32
      %dma_wait3A_1045 = arith.constant 0 : i32
      %dma_wait3A_1046 = tpu.memref_slice %arg6[%dma_wait3A_1035, %dma_wait3A_1044, %dma_wait3A_1045] : memref<10x64x128xf32, #tpu.memory_space<vmem>> -> memref<1x64x128xf32, #tpu.memory_space<vmem>>
      %dma_wait3A_1047 = tpu.memref_squeeze %dma_wait3A_1046 : memref<1x64x128xf32, #tpu.memory_space<vmem>> -> memref<64x128xf32, #tpu.memory_space<vmem>>
      tpu.wait_dma2 semaphore(%arg8 : memref<!tpu.dma_semaphore, #tpu.memory_space<semaphore_mem>>) src(%dma_wait3A_1047 : memref<64x128xf32, #tpu.memory_space<vmem>>) dst(%dma_wait3A_1043 : memref<64x128xf32, #tpu.memory_space<hbm>>)
      %add3A_1048 = arith.constant 10 : i32
      %add3A_1049 = arith.addi %add3A_1034, %add3A_1048 : i32
      %sub3A_1050 = arith.constant 1 : i32
      %sub3A_1051 = arith.subi %add3A_1049, %sub3A_1050 : i32
      %mul3A_1052 = arith.constant 64 : i32
      %mul3A_1053 = arith.muli %sub3A_1051, %mul3A_1052 : i32
      %dma_start3A_1054 = arith.constant 9 : i32
      %dma_start3A_1055 = arith.constant 0 : i32
      %dma_start3A_1056 = arith.constant 0 : i32
      %dma_start3A_1057 = tpu.memref_slice %arg6[%dma_start3A_1054, %dma_start3A_1055, %dma_start3A_1056] : memref<10x64x128xf32, #tpu.memory_space<vmem>> -> memref<1x64x128xf32, #tpu.memory_space<vmem>>
      %dma_start3A_1058 = tpu.memref_squeeze %dma_start3A_1057 : memref<1x64x128xf32, #tpu.memory_space<vmem>> -> memref<64x128xf32, #tpu.memory_space<vmem>>
      %dma_start3A_1059 = tpu.memref_slice %arg5[%mul3A_1053] : memref<25600xi32, #tpu.memory_space<vmem>> -> memref<64xi32, #tpu.memory_space<vmem>>
      %dma_start3A_1060 = arith.constant 0 : i32
      %dma_start3A_1061 = arith.constant 0 : i32
      %dma_start3A_1062 = tpu.memref_slice %arg2[%dma_start3A_1060, %dma_start3A_1061] : memref<100000x128xf32, #tpu.memory_space<hbm>> -> memref<100000x128xf32, #tpu.memory_space<hbm>>
      tpu.enqueue_indirect_dma source(%dma_start3A_1062 : memref<100000x128xf32, #tpu.memory_space<hbm>>) target(%dma_start3A_1058 : memref<64x128xf32, #tpu.memory_space<vmem>>) offsets(%dma_start3A_1059 : memref<64xi32, #tpu.memory_space<vmem>>) semaphore(%arg7 : memref<!tpu.dma_semaphore, #tpu.memory_space<semaphore_mem>>)
      %dma_wait3A_1063 = arith.constant 0 : i32
      %dma_wait3A_1064 = arith.constant 0 : i32
      %dma_wait3A_1065 = arith.constant 0 : i32
      %dma_wait3A_1066 = tpu.memref_slice %arg6[%dma_wait3A_1063, %dma_wait3A_1064, %dma_wait3A_1065] : memref<10x64x128xf32, #tpu.memory_space<vmem>> -> memref<1x64x128xf32, #tpu.memory_space<vmem>>
      %dma_wait3A_1067 = tpu.memref_squeeze %dma_wait3A_1066 : memref<1x64x128xf32, #tpu.memory_space<vmem>> -> memref<64x128xf32, #tpu.memory_space<vmem>>
      %dma_wait3A_1068 = arith.constant 0 : i32
      %dma_wait3A_1069 = tpu.memref_slice %arg5[%dma_wait3A_1068] : memref<25600xi32, #tpu.memory_space<vmem>> -> memref<64xi32, #tpu.memory_space<vmem>>
      %dma_wait3A_1070 = arith.constant 0 : i32
      %dma_wait3A_1071 = arith.constant 0 : i32
      %dma_wait3A_1072 = tpu.memref_slice %arg2[%dma_wait3A_1070, %dma_wait3A_1071] : memref<100000x128xf32, #tpu.memory_space<hbm>> -> memref<100000x128xf32, #tpu.memory_space<hbm>>
      tpu.wait_indirect_dma semaphore(%arg7 : memref<!tpu.dma_semaphore, #tpu.memory_space<semaphore_mem>>) src(%dma_wait3A_1072 : memref<100000x128xf32, #tpu.memory_space<hbm>>) dst(%dma_wait3A_1067 : memref<64x128xf32, #tpu.memory_space<vmem>>)
      %mul3A_1073 = arith.constant 64 : i32
      %mul3A_1074 = arith.muli %add3A_1034, %mul3A_1073 : i32
      %add3A_1075 = arith.addi %mul3A_2, %mul3A_1074 : i32
      %dma_start3A_1076 = arith.constant 0 : i32
      %dma_start3A_1077 = arith.constant 0 : i32
      %dma_start3A_1078 = arith.constant 0 : i32
      %dma_start3A_1079 = tpu.memref_slice %arg6[%dma_start3A_1076, %dma_start3A_1077, %dma_start3A_1078] : memref<10x64x128xf32, #tpu.memory_space<vmem>> -> memref<1x64x128xf32, #tpu.memory_space<vmem>>
      %dma_start3A_1080 = tpu.memref_squeeze %dma_start3A_1079 : memref<1x64x128xf32, #tpu.memory_space<vmem>> -> memref<64x128xf32, #tpu.memory_space<vmem>>
      %dma_start3A_1081 = arith.constant 0 : i32
      %dma_start3A_1082 = tpu.memref_slice %arg4[%add3A_1075, %dma_start3A_1081] : memref<819200x128xf32, #tpu.memory_space<hbm>> -> memref<64x128xf32, #tpu.memory_space<hbm>>
      %dma_start3A_1083 = arith.constant 0 : i32
      %dma_start3A_1084 = tpu.memref_slice %arg4[%add3A_1075, %dma_start3A_1083] : memref<819200x128xf32, #tpu.memory_space<hbm>> -> memref<64x128xf32, #tpu.memory_space<hbm>>
      %dma_start3A_1085 = arith.constant 0 : i32
      %dma_start3A_1086 = arith.constant 0 : i32
      %dma_start3A_1087 = tpu.memref_slice %arg6[%dma_start3A_1076, %dma_start3A_1085, %dma_start3A_1086] : memref<10x64x128xf32, #tpu.memory_space<vmem>> -> memref<1x64x128xf32, #tpu.memory_space<vmem>>
      %dma_start3A_1088 = tpu.memref_squeeze %dma_start3A_1087 : memref<1x64x128xf32, #tpu.memory_space<vmem>> -> memref<64x128xf32, #tpu.memory_space<vmem>>
      tpu.enqueue_dma source(%dma_start3A_1088 : memref<64x128xf32, #tpu.memory_space<vmem>>) target(%dma_start3A_1084 : memref<64x128xf32, #tpu.memory_space<hbm>>) target_semaphore(%arg8 : memref<!tpu.dma_semaphore, #tpu.memory_space<semaphore_mem>>)
    }
    %scan3A_129 = arith.constant 39 : i32
    %dma_wait3A_130 = arith.constant 1 : i32
    %dma_wait3A_131 = arith.constant 0 : i32
    %dma_wait3A_132 = arith.constant 0 : i32
    %dma_wait3A_133 = tpu.memref_slice %arg6[%dma_wait3A_130, %dma_wait3A_131, %dma_wait3A_132] : memref<10x64x128xf32, #tpu.memory_space<vmem>> -> memref<1x64x128xf32, #tpu.memory_space<vmem>>
    %dma_wait3A_134 = tpu.memref_squeeze %dma_wait3A_133 : memref<1x64x128xf32, #tpu.memory_space<vmem>> -> memref<64x128xf32, #tpu.memory_space<vmem>>
    %dma_wait3A_135 = arith.constant 0 : i32
    %dma_wait3A_136 = tpu.memref_slice %arg5[%dma_wait3A_135] : memref<25600xi32, #tpu.memory_space<vmem>> -> memref<64xi32, #tpu.memory_space<vmem>>
    %dma_wait3A_137 = arith.constant 0 : i32
    %dma_wait3A_138 = arith.constant 0 : i32
    %dma_wait3A_139 = tpu.memref_slice %arg2[%dma_wait3A_137, %dma_wait3A_138] : memref<100000x128xf32, #tpu.memory_space<hbm>> -> memref<100000x128xf32, #tpu.memory_space<hbm>>
    tpu.wait_indirect_dma semaphore(%arg7 : memref<!tpu.dma_semaphore, #tpu.memory_space<semaphore_mem>>) src(%dma_wait3A_139 : memref<100000x128xf32, #tpu.memory_space<hbm>>) dst(%dma_wait3A_134 : memref<64x128xf32, #tpu.memory_space<vmem>>)
    %add3A_140 = arith.constant 25024 : i32
    %add3A_141 = arith.addi %mul3A_2, %add3A_140 : i32
    %dma_start3A_142 = arith.constant 1 : i32
    %dma_start3A_143 = arith.constant 0 : i32
    %dma_start3A_144 = arith.constant 0 : i32
    %dma_start3A_145 = tpu.memref_slice %arg6[%dma_start3A_142, %dma_start3A_143, %dma_start3A_144] : memref<10x64x128xf32, #tpu.memory_space<vmem>> -> memref<1x64x128xf32, #tpu.memory_space<vmem>>
    %dma_start3A_146 = tpu.memref_squeeze %dma_start3A_145 : memref<1x64x128xf32, #tpu.memory_space<vmem>> -> memref<64x128xf32, #tpu.memory_space<vmem>>
    %dma_start3A_147 = arith.constant 0 : i32
    %dma_start3A_148 = tpu.memref_slice %arg4[%add3A_141, %dma_start3A_147] : memref<819200x128xf32, #tpu.memory_space<hbm>> -> memref<64x128xf32, #tpu.memory_space<hbm>>
    %dma_start3A_149 = arith.constant 0 : i32
    %dma_start3A_150 = tpu.memref_slice %arg4[%add3A_141, %dma_start3A_149] : memref<819200x128xf32, #tpu.memory_space<hbm>> -> memref<64x128xf32, #tpu.memory_space<hbm>>
    %dma_start3A_151 = arith.constant 0 : i32
    %dma_start3A_152 = arith.constant 0 : i32
    %dma_start3A_153 = tpu.memref_slice %arg6[%dma_start3A_142, %dma_start3A_151, %dma_start3A_152] : memref<10x64x128xf32, #tpu.memory_space<vmem>> -> memref<1x64x128xf32, #tpu.memory_space<vmem>>
    %dma_start3A_154 = tpu.memref_squeeze %dma_start3A_153 : memref<1x64x128xf32, #tpu.memory_space<vmem>> -> memref<64x128xf32, #tpu.memory_space<vmem>>
    tpu.enqueue_dma source(%dma_start3A_154 : memref<64x128xf32, #tpu.memory_space<vmem>>) target(%dma_start3A_150 : memref<64x128xf32, #tpu.memory_space<hbm>>) target_semaphore(%arg8 : memref<!tpu.dma_semaphore, #tpu.memory_space<semaphore_mem>>)
    %dma_wait3A_155 = arith.constant 2 : i32
    %dma_wait3A_156 = arith.constant 0 : i32
    %dma_wait3A_157 = arith.constant 0 : i32
    %dma_wait3A_158 = tpu.memref_slice %arg6[%dma_wait3A_155, %dma_wait3A_156, %dma_wait3A_157] : memref<10x64x128xf32, #tpu.memory_space<vmem>> -> memref<1x64x128xf32, #tpu.memory_space<vmem>>
    %dma_wait3A_159 = tpu.memref_squeeze %dma_wait3A_158 : memref<1x64x128xf32, #tpu.memory_space<vmem>> -> memref<64x128xf32, #tpu.memory_space<vmem>>
    %dma_wait3A_160 = arith.constant 0 : i32
    %dma_wait3A_161 = tpu.memref_slice %arg5[%dma_wait3A_160] : memref<25600xi32, #tpu.memory_space<vmem>> -> memref<64xi32, #tpu.memory_space<vmem>>
    %dma_wait3A_162 = arith.constant 0 : i32
    %dma_wait3A_163 = arith.constant 0 : i32
    %dma_wait3A_164 = tpu.memref_slice %arg2[%dma_wait3A_162, %dma_wait3A_163] : memref<100000x128xf32, #tpu.memory_space<hbm>> -> memref<100000x128xf32, #tpu.memory_space<hbm>>
    tpu.wait_indirect_dma semaphore(%arg7 : memref<!tpu.dma_semaphore, #tpu.memory_space<semaphore_mem>>) src(%dma_wait3A_164 : memref<100000x128xf32, #tpu.memory_space<hbm>>) dst(%dma_wait3A_159 : memref<64x128xf32, #tpu.memory_space<vmem>>)
    %add3A_165 = arith.constant 25088 : i32
    %add3A_166 = arith.addi %mul3A_2, %add3A_165 : i32
    %dma_start3A_167 = arith.constant 2 : i32
    %dma_start3A_168 = arith.constant 0 : i32
    %dma_start3A_169 = arith.constant 0 : i32
    %dma_start3A_170 = tpu.memref_slice %arg6[%dma_start3A_167, %dma_start3A_168, %dma_start3A_169] : memref<10x64x128xf32, #tpu.memory_space<vmem>> -> memref<1x64x128xf32, #tpu.memory_space<vmem>>
    %dma_start3A_171 = tpu.memref_squeeze %dma_start3A_170 : memref<1x64x128xf32, #tpu.memory_space<vmem>> -> memref<64x128xf32, #tpu.memory_space<vmem>>
    %dma_start3A_172 = arith.constant 0 : i32
    %dma_start3A_173 = tpu.memref_slice %arg4[%add3A_166, %dma_start3A_172] : memref<819200x128xf32, #tpu.memory_space<hbm>> -> memref<64x128xf32, #tpu.memory_space<hbm>>
    %dma_start3A_174 = arith.constant 0 : i32
    %dma_start3A_175 = tpu.memref_slice %arg4[%add3A_166, %dma_start3A_174] : memref<819200x128xf32, #tpu.memory_space<hbm>> -> memref<64x128xf32, #tpu.memory_space<hbm>>
    %dma_start3A_176 = arith.constant 0 : i32
    %dma_start3A_177 = arith.constant 0 : i32
    %dma_start3A_178 = tpu.memref_slice %arg6[%dma_start3A_167, %dma_start3A_176, %dma_start3A_177] : memref<10x64x128xf32, #tpu.memory_space<vmem>> -> memref<1x64x128xf32, #tpu.memory_space<vmem>>
    %dma_start3A_179 = tpu.memref_squeeze %dma_start3A_178 : memref<1x64x128xf32, #tpu.memory_space<vmem>> -> memref<64x128xf32, #tpu.memory_space<vmem>>
    tpu.enqueue_dma source(%dma_start3A_179 : memref<64x128xf32, #tpu.memory_space<vmem>>) target(%dma_start3A_175 : memref<64x128xf32, #tpu.memory_space<hbm>>) target_semaphore(%arg8 : memref<!tpu.dma_semaphore, #tpu.memory_space<semaphore_mem>>)
    %dma_wait3A_180 = arith.constant 3 : i32
    %dma_wait3A_181 = arith.constant 0 : i32
    %dma_wait3A_182 = arith.constant 0 : i32
    %dma_wait3A_183 = tpu.memref_slice %arg6[%dma_wait3A_180, %dma_wait3A_181, %dma_wait3A_182] : memref<10x64x128xf32, #tpu.memory_space<vmem>> -> memref<1x64x128xf32, #tpu.memory_space<vmem>>
    %dma_wait3A_184 = tpu.memref_squeeze %dma_wait3A_183 : memref<1x64x128xf32, #tpu.memory_space<vmem>> -> memref<64x128xf32, #tpu.memory_space<vmem>>
    %dma_wait3A_185 = arith.constant 0 : i32
    %dma_wait3A_186 = tpu.memref_slice %arg5[%dma_wait3A_185] : memref<25600xi32, #tpu.memory_space<vmem>> -> memref<64xi32, #tpu.memory_space<vmem>>
    %dma_wait3A_187 = arith.constant 0 : i32
    %dma_wait3A_188 = arith.constant 0 : i32
    %dma_wait3A_189 = tpu.memref_slice %arg2[%dma_wait3A_187, %dma_wait3A_188] : memref<100000x128xf32, #tpu.memory_space<hbm>> -> memref<100000x128xf32, #tpu.memory_space<hbm>>
    tpu.wait_indirect_dma semaphore(%arg7 : memref<!tpu.dma_semaphore, #tpu.memory_space<semaphore_mem>>) src(%dma_wait3A_189 : memref<100000x128xf32, #tpu.memory_space<hbm>>) dst(%dma_wait3A_184 : memref<64x128xf32, #tpu.memory_space<vmem>>)
    %add3A_190 = arith.constant 25152 : i32
    %add3A_191 = arith.addi %mul3A_2, %add3A_190 : i32
    %dma_start3A_192 = arith.constant 3 : i32
    %dma_start3A_193 = arith.constant 0 : i32
    %dma_start3A_194 = arith.constant 0 : i32
    %dma_start3A_195 = tpu.memref_slice %arg6[%dma_start3A_192, %dma_start3A_193, %dma_start3A_194] : memref<10x64x128xf32, #tpu.memory_space<vmem>> -> memref<1x64x128xf32, #tpu.memory_space<vmem>>
    %dma_start3A_196 = tpu.memref_squeeze %dma_start3A_195 : memref<1x64x128xf32, #tpu.memory_space<vmem>> -> memref<64x128xf32, #tpu.memory_space<vmem>>
    %dma_start3A_197 = arith.constant 0 : i32
    %dma_start3A_198 = tpu.memref_slice %arg4[%add3A_191, %dma_start3A_197] : memref<819200x128xf32, #tpu.memory_space<hbm>> -> memref<64x128xf32, #tpu.memory_space<hbm>>
    %dma_start3A_199 = arith.constant 0 : i32
    %dma_start3A_200 = tpu.memref_slice %arg4[%add3A_191, %dma_start3A_199] : memref<819200x128xf32, #tpu.memory_space<hbm>> -> memref<64x128xf32, #tpu.memory_space<hbm>>
    %dma_start3A_201 = arith.constant 0 : i32
    %dma_start3A_202 = arith.constant 0 : i32
    %dma_start3A_203 = tpu.memref_slice %arg6[%dma_start3A_192, %dma_start3A_201, %dma_start3A_202] : memref<10x64x128xf32, #tpu.memory_space<vmem>> -> memref<1x64x128xf32, #tpu.memory_space<vmem>>
    %dma_start3A_204 = tpu.memref_squeeze %dma_start3A_203 : memref<1x64x128xf32, #tpu.memory_space<vmem>> -> memref<64x128xf32, #tpu.memory_space<vmem>>
    tpu.enqueue_dma source(%dma_start3A_204 : memref<64x128xf32, #tpu.memory_space<vmem>>) target(%dma_start3A_200 : memref<64x128xf32, #tpu.memory_space<hbm>>) target_semaphore(%arg8 : memref<!tpu.dma_semaphore, #tpu.memory_space<semaphore_mem>>)
    %dma_wait3A_205 = arith.constant 4 : i32
    %dma_wait3A_206 = arith.constant 0 : i32
    %dma_wait3A_207 = arith.constant 0 : i32
    %dma_wait3A_208 = tpu.memref_slice %arg6[%dma_wait3A_205, %dma_wait3A_206, %dma_wait3A_207] : memref<10x64x128xf32, #tpu.memory_space<vmem>> -> memref<1x64x128xf32, #tpu.memory_space<vmem>>
    %dma_wait3A_209 = tpu.memref_squeeze %dma_wait3A_208 : memref<1x64x128xf32, #tpu.memory_space<vmem>> -> memref<64x128xf32, #tpu.memory_space<vmem>>
    %dma_wait3A_210 = arith.constant 0 : i32
    %dma_wait3A_211 = tpu.memref_slice %arg5[%dma_wait3A_210] : memref<25600xi32, #tpu.memory_space<vmem>> -> memref<64xi32, #tpu.memory_space<vmem>>
    %dma_wait3A_212 = arith.constant 0 : i32
    %dma_wait3A_213 = arith.constant 0 : i32
    %dma_wait3A_214 = tpu.memref_slice %arg2[%dma_wait3A_212, %dma_wait3A_213] : memref<100000x128xf32, #tpu.memory_space<hbm>> -> memref<100000x128xf32, #tpu.memory_space<hbm>>
    tpu.wait_indirect_dma semaphore(%arg7 : memref<!tpu.dma_semaphore, #tpu.memory_space<semaphore_mem>>) src(%dma_wait3A_214 : memref<100000x128xf32, #tpu.memory_space<hbm>>) dst(%dma_wait3A_209 : memref<64x128xf32, #tpu.memory_space<vmem>>)
    %add3A_215 = arith.constant 25216 : i32
    %add3A_216 = arith.addi %mul3A_2, %add3A_215 : i32
    %dma_start3A_217 = arith.constant 4 : i32
    %dma_start3A_218 = arith.constant 0 : i32
    %dma_start3A_219 = arith.constant 0 : i32
    %dma_start3A_220 = tpu.memref_slice %arg6[%dma_start3A_217, %dma_start3A_218, %dma_start3A_219] : memref<10x64x128xf32, #tpu.memory_space<vmem>> -> memref<1x64x128xf32, #tpu.memory_space<vmem>>
    %dma_start3A_221 = tpu.memref_squeeze %dma_start3A_220 : memref<1x64x128xf32, #tpu.memory_space<vmem>> -> memref<64x128xf32, #tpu.memory_space<vmem>>
    %dma_start3A_222 = arith.constant 0 : i32
    %dma_start3A_223 = tpu.memref_slice %arg4[%add3A_216, %dma_start3A_222] : memref<819200x128xf32, #tpu.memory_space<hbm>> -> memref<64x128xf32, #tpu.memory_space<hbm>>
    %dma_start3A_224 = arith.constant 0 : i32
    %dma_start3A_225 = tpu.memref_slice %arg4[%add3A_216, %dma_start3A_224] : memref<819200x128xf32, #tpu.memory_space<hbm>> -> memref<64x128xf32, #tpu.memory_space<hbm>>
    %dma_start3A_226 = arith.constant 0 : i32
    %dma_start3A_227 = arith.constant 0 : i32
    %dma_start3A_228 = tpu.memref_slice %arg6[%dma_start3A_217, %dma_start3A_226, %dma_start3A_227] : memref<10x64x128xf32, #tpu.memory_space<vmem>> -> memref<1x64x128xf32, #tpu.memory_space<vmem>>
    %dma_start3A_229 = tpu.memref_squeeze %dma_start3A_228 : memref<1x64x128xf32, #tpu.memory_space<vmem>> -> memref<64x128xf32, #tpu.memory_space<vmem>>
    tpu.enqueue_dma source(%dma_start3A_229 : memref<64x128xf32, #tpu.memory_space<vmem>>) target(%dma_start3A_225 : memref<64x128xf32, #tpu.memory_space<hbm>>) target_semaphore(%arg8 : memref<!tpu.dma_semaphore, #tpu.memory_space<semaphore_mem>>)
    %dma_wait3A_230 = arith.constant 5 : i32
    %dma_wait3A_231 = arith.constant 0 : i32
    %dma_wait3A_232 = arith.constant 0 : i32
    %dma_wait3A_233 = tpu.memref_slice %arg6[%dma_wait3A_230, %dma_wait3A_231, %dma_wait3A_232] : memref<10x64x128xf32, #tpu.memory_space<vmem>> -> memref<1x64x128xf32, #tpu.memory_space<vmem>>
    %dma_wait3A_234 = tpu.memref_squeeze %dma_wait3A_233 : memref<1x64x128xf32, #tpu.memory_space<vmem>> -> memref<64x128xf32, #tpu.memory_space<vmem>>
    %dma_wait3A_235 = arith.constant 0 : i32
    %dma_wait3A_236 = tpu.memref_slice %arg5[%dma_wait3A_235] : memref<25600xi32, #tpu.memory_space<vmem>> -> memref<64xi32, #tpu.memory_space<vmem>>
    %dma_wait3A_237 = arith.constant 0 : i32
    %dma_wait3A_238 = arith.constant 0 : i32
    %dma_wait3A_239 = tpu.memref_slice %arg2[%dma_wait3A_237, %dma_wait3A_238] : memref<100000x128xf32, #tpu.memory_space<hbm>> -> memref<100000x128xf32, #tpu.memory_space<hbm>>
    tpu.wait_indirect_dma semaphore(%arg7 : memref<!tpu.dma_semaphore, #tpu.memory_space<semaphore_mem>>) src(%dma_wait3A_239 : memref<100000x128xf32, #tpu.memory_space<hbm>>) dst(%dma_wait3A_234 : memref<64x128xf32, #tpu.memory_space<vmem>>)
    %add3A_240 = arith.constant 25280 : i32
    %add3A_241 = arith.addi %mul3A_2, %add3A_240 : i32
    %dma_start3A_242 = arith.constant 5 : i32
    %dma_start3A_243 = arith.constant 0 : i32
    %dma_start3A_244 = arith.constant 0 : i32
    %dma_start3A_245 = tpu.memref_slice %arg6[%dma_start3A_242, %dma_start3A_243, %dma_start3A_244] : memref<10x64x128xf32, #tpu.memory_space<vmem>> -> memref<1x64x128xf32, #tpu.memory_space<vmem>>
    %dma_start3A_246 = tpu.memref_squeeze %dma_start3A_245 : memref<1x64x128xf32, #tpu.memory_space<vmem>> -> memref<64x128xf32, #tpu.memory_space<vmem>>
    %dma_start3A_247 = arith.constant 0 : i32
    %dma_start3A_248 = tpu.memref_slice %arg4[%add3A_241, %dma_start3A_247] : memref<819200x128xf32, #tpu.memory_space<hbm>> -> memref<64x128xf32, #tpu.memory_space<hbm>>
    %dma_start3A_249 = arith.constant 0 : i32
    %dma_start3A_250 = tpu.memref_slice %arg4[%add3A_241, %dma_start3A_249] : memref<819200x128xf32, #tpu.memory_space<hbm>> -> memref<64x128xf32, #tpu.memory_space<hbm>>
    %dma_start3A_251 = arith.constant 0 : i32
    %dma_start3A_252 = arith.constant 0 : i32
    %dma_start3A_253 = tpu.memref_slice %arg6[%dma_start3A_242, %dma_start3A_251, %dma_start3A_252] : memref<10x64x128xf32, #tpu.memory_space<vmem>> -> memref<1x64x128xf32, #tpu.memory_space<vmem>>
    %dma_start3A_254 = tpu.memref_squeeze %dma_start3A_253 : memref<1x64x128xf32, #tpu.memory_space<vmem>> -> memref<64x128xf32, #tpu.memory_space<vmem>>
    tpu.enqueue_dma source(%dma_start3A_254 : memref<64x128xf32, #tpu.memory_space<vmem>>) target(%dma_start3A_250 : memref<64x128xf32, #tpu.memory_space<hbm>>) target_semaphore(%arg8 : memref<!tpu.dma_semaphore, #tpu.memory_space<semaphore_mem>>)
    %dma_wait3A_255 = arith.constant 6 : i32
    %dma_wait3A_256 = arith.constant 0 : i32
    %dma_wait3A_257 = arith.constant 0 : i32
    %dma_wait3A_258 = tpu.memref_slice %arg6[%dma_wait3A_255, %dma_wait3A_256, %dma_wait3A_257] : memref<10x64x128xf32, #tpu.memory_space<vmem>> -> memref<1x64x128xf32, #tpu.memory_space<vmem>>
    %dma_wait3A_259 = tpu.memref_squeeze %dma_wait3A_258 : memref<1x64x128xf32, #tpu.memory_space<vmem>> -> memref<64x128xf32, #tpu.memory_space<vmem>>
    %dma_wait3A_260 = arith.constant 0 : i32
    %dma_wait3A_261 = tpu.memref_slice %arg5[%dma_wait3A_260] : memref<25600xi32, #tpu.memory_space<vmem>> -> memref<64xi32, #tpu.memory_space<vmem>>
    %dma_wait3A_262 = arith.constant 0 : i32
    %dma_wait3A_263 = arith.constant 0 : i32
    %dma_wait3A_264 = tpu.memref_slice %arg2[%dma_wait3A_262, %dma_wait3A_263] : memref<100000x128xf32, #tpu.memory_space<hbm>> -> memref<100000x128xf32, #tpu.memory_space<hbm>>
    tpu.wait_indirect_dma semaphore(%arg7 : memref<!tpu.dma_semaphore, #tpu.memory_space<semaphore_mem>>) src(%dma_wait3A_264 : memref<100000x128xf32, #tpu.memory_space<hbm>>) dst(%dma_wait3A_259 : memref<64x128xf32, #tpu.memory_space<vmem>>)
    %add3A_265 = arith.constant 25344 : i32
    %add3A_266 = arith.addi %mul3A_2, %add3A_265 : i32
    %dma_start3A_267 = arith.constant 6 : i32
    %dma_start3A_268 = arith.constant 0 : i32
    %dma_start3A_269 = arith.constant 0 : i32
    %dma_start3A_270 = tpu.memref_slice %arg6[%dma_start3A_267, %dma_start3A_268, %dma_start3A_269] : memref<10x64x128xf32, #tpu.memory_space<vmem>> -> memref<1x64x128xf32, #tpu.memory_space<vmem>>
    %dma_start3A_271 = tpu.memref_squeeze %dma_start3A_270 : memref<1x64x128xf32, #tpu.memory_space<vmem>> -> memref<64x128xf32, #tpu.memory_space<vmem>>
    %dma_start3A_272 = arith.constant 0 : i32
    %dma_start3A_273 = tpu.memref_slice %arg4[%add3A_266, %dma_start3A_272] : memref<819200x128xf32, #tpu.memory_space<hbm>> -> memref<64x128xf32, #tpu.memory_space<hbm>>
    %dma_start3A_274 = arith.constant 0 : i32
    %dma_start3A_275 = tpu.memref_slice %arg4[%add3A_266, %dma_start3A_274] : memref<819200x128xf32, #tpu.memory_space<hbm>> -> memref<64x128xf32, #tpu.memory_space<hbm>>
    %dma_start3A_276 = arith.constant 0 : i32
    %dma_start3A_277 = arith.constant 0 : i32
    %dma_start3A_278 = tpu.memref_slice %arg6[%dma_start3A_267, %dma_start3A_276, %dma_start3A_277] : memref<10x64x128xf32, #tpu.memory_space<vmem>> -> memref<1x64x128xf32, #tpu.memory_space<vmem>>
    %dma_start3A_279 = tpu.memref_squeeze %dma_start3A_278 : memref<1x64x128xf32, #tpu.memory_space<vmem>> -> memref<64x128xf32, #tpu.memory_space<vmem>>
    tpu.enqueue_dma source(%dma_start3A_279 : memref<64x128xf32, #tpu.memory_space<vmem>>) target(%dma_start3A_275 : memref<64x128xf32, #tpu.memory_space<hbm>>) target_semaphore(%arg8 : memref<!tpu.dma_semaphore, #tpu.memory_space<semaphore_mem>>)
    %dma_wait3A_280 = arith.constant 7 : i32
    %dma_wait3A_281 = arith.constant 0 : i32
    %dma_wait3A_282 = arith.constant 0 : i32
    %dma_wait3A_283 = tpu.memref_slice %arg6[%dma_wait3A_280, %dma_wait3A_281, %dma_wait3A_282] : memref<10x64x128xf32, #tpu.memory_space<vmem>> -> memref<1x64x128xf32, #tpu.memory_space<vmem>>
    %dma_wait3A_284 = tpu.memref_squeeze %dma_wait3A_283 : memref<1x64x128xf32, #tpu.memory_space<vmem>> -> memref<64x128xf32, #tpu.memory_space<vmem>>
    %dma_wait3A_285 = arith.constant 0 : i32
    %dma_wait3A_286 = tpu.memref_slice %arg5[%dma_wait3A_285] : memref<25600xi32, #tpu.memory_space<vmem>> -> memref<64xi32, #tpu.memory_space<vmem>>
    %dma_wait3A_287 = arith.constant 0 : i32
    %dma_wait3A_288 = arith.constant 0 : i32
    %dma_wait3A_289 = tpu.memref_slice %arg2[%dma_wait3A_287, %dma_wait3A_288] : memref<100000x128xf32, #tpu.memory_space<hbm>> -> memref<100000x128xf32, #tpu.memory_space<hbm>>
    tpu.wait_indirect_dma semaphore(%arg7 : memref<!tpu.dma_semaphore, #tpu.memory_space<semaphore_mem>>) src(%dma_wait3A_289 : memref<100000x128xf32, #tpu.memory_space<hbm>>) dst(%dma_wait3A_284 : memref<64x128xf32, #tpu.memory_space<vmem>>)
    %add3A_290 = arith.constant 25408 : i32
    %add3A_291 = arith.addi %mul3A_2, %add3A_290 : i32
    %dma_start3A_292 = arith.constant 7 : i32
    %dma_start3A_293 = arith.constant 0 : i32
    %dma_start3A_294 = arith.constant 0 : i32
    %dma_start3A_295 = tpu.memref_slice %arg6[%dma_start3A_292, %dma_start3A_293, %dma_start3A_294] : memref<10x64x128xf32, #tpu.memory_space<vmem>> -> memref<1x64x128xf32, #tpu.memory_space<vmem>>
    %dma_start3A_296 = tpu.memref_squeeze %dma_start3A_295 : memref<1x64x128xf32, #tpu.memory_space<vmem>> -> memref<64x128xf32, #tpu.memory_space<vmem>>
    %dma_start3A_297 = arith.constant 0 : i32
    %dma_start3A_298 = tpu.memref_slice %arg4[%add3A_291, %dma_start3A_297] : memref<819200x128xf32, #tpu.memory_space<hbm>> -> memref<64x128xf32, #tpu.memory_space<hbm>>
    %dma_start3A_299 = arith.constant 0 : i32
    %dma_start3A_300 = tpu.memref_slice %arg4[%add3A_291, %dma_start3A_299] : memref<819200x128xf32, #tpu.memory_space<hbm>> -> memref<64x128xf32, #tpu.memory_space<hbm>>
    %dma_start3A_301 = arith.constant 0 : i32
    %dma_start3A_302 = arith.constant 0 : i32
    %dma_start3A_303 = tpu.memref_slice %arg6[%dma_start3A_292, %dma_start3A_301, %dma_start3A_302] : memref<10x64x128xf32, #tpu.memory_space<vmem>> -> memref<1x64x128xf32, #tpu.memory_space<vmem>>
    %dma_start3A_304 = tpu.memref_squeeze %dma_start3A_303 : memref<1x64x128xf32, #tpu.memory_space<vmem>> -> memref<64x128xf32, #tpu.memory_space<vmem>>
    tpu.enqueue_dma source(%dma_start3A_304 : memref<64x128xf32, #tpu.memory_space<vmem>>) target(%dma_start3A_300 : memref<64x128xf32, #tpu.memory_space<hbm>>) target_semaphore(%arg8 : memref<!tpu.dma_semaphore, #tpu.memory_space<semaphore_mem>>)
    %dma_wait3A_305 = arith.constant 8 : i32
    %dma_wait3A_306 = arith.constant 0 : i32
    %dma_wait3A_307 = arith.constant 0 : i32
    %dma_wait3A_308 = tpu.memref_slice %arg6[%dma_wait3A_305, %dma_wait3A_306, %dma_wait3A_307] : memref<10x64x128xf32, #tpu.memory_space<vmem>> -> memref<1x64x128xf32, #tpu.memory_space<vmem>>
    %dma_wait3A_309 = tpu.memref_squeeze %dma_wait3A_308 : memref<1x64x128xf32, #tpu.memory_space<vmem>> -> memref<64x128xf32, #tpu.memory_space<vmem>>
    %dma_wait3A_310 = arith.constant 0 : i32
    %dma_wait3A_311 = tpu.memref_slice %arg5[%dma_wait3A_310] : memref<25600xi32, #tpu.memory_space<vmem>> -> memref<64xi32, #tpu.memory_space<vmem>>
    %dma_wait3A_312 = arith.constant 0 : i32
    %dma_wait3A_313 = arith.constant 0 : i32
    %dma_wait3A_314 = tpu.memref_slice %arg2[%dma_wait3A_312, %dma_wait3A_313] : memref<100000x128xf32, #tpu.memory_space<hbm>> -> memref<100000x128xf32, #tpu.memory_space<hbm>>
    tpu.wait_indirect_dma semaphore(%arg7 : memref<!tpu.dma_semaphore, #tpu.memory_space<semaphore_mem>>) src(%dma_wait3A_314 : memref<100000x128xf32, #tpu.memory_space<hbm>>) dst(%dma_wait3A_309 : memref<64x128xf32, #tpu.memory_space<vmem>>)
    %add3A_315 = arith.constant 25472 : i32
    %add3A_316 = arith.addi %mul3A_2, %add3A_315 : i32
    %dma_start3A_317 = arith.constant 8 : i32
    %dma_start3A_318 = arith.constant 0 : i32
    %dma_start3A_319 = arith.constant 0 : i32
    %dma_start3A_320 = tpu.memref_slice %arg6[%dma_start3A_317, %dma_start3A_318, %dma_start3A_319] : memref<10x64x128xf32, #tpu.memory_space<vmem>> -> memref<1x64x128xf32, #tpu.memory_space<vmem>>
    %dma_start3A_321 = tpu.memref_squeeze %dma_start3A_320 : memref<1x64x128xf32, #tpu.memory_space<vmem>> -> memref<64x128xf32, #tpu.memory_space<vmem>>
    %dma_start3A_322 = arith.constant 0 : i32
    %dma_start3A_323 = tpu.memref_slice %arg4[%add3A_316, %dma_start3A_322] : memref<819200x128xf32, #tpu.memory_space<hbm>> -> memref<64x128xf32, #tpu.memory_space<hbm>>
    %dma_start3A_324 = arith.constant 0 : i32
    %dma_start3A_325 = tpu.memref_slice %arg4[%add3A_316, %dma_start3A_324] : memref<819200x128xf32, #tpu.memory_space<hbm>> -> memref<64x128xf32, #tpu.memory_space<hbm>>
    %dma_start3A_326 = arith.constant 0 : i32
    %dma_start3A_327 = arith.constant 0 : i32
    %dma_start3A_328 = tpu.memref_slice %arg6[%dma_start3A_317, %dma_start3A_326, %dma_start3A_327] : memref<10x64x128xf32, #tpu.memory_space<vmem>> -> memref<1x64x128xf32, #tpu.memory_space<vmem>>
    %dma_start3A_329 = tpu.memref_squeeze %dma_start3A_328 : memref<1x64x128xf32, #tpu.memory_space<vmem>> -> memref<64x128xf32, #tpu.memory_space<vmem>>
    tpu.enqueue_dma source(%dma_start3A_329 : memref<64x128xf32, #tpu.memory_space<vmem>>) target(%dma_start3A_325 : memref<64x128xf32, #tpu.memory_space<hbm>>) target_semaphore(%arg8 : memref<!tpu.dma_semaphore, #tpu.memory_space<semaphore_mem>>)
    %dma_wait3A_330 = arith.constant 9 : i32
    %dma_wait3A_331 = arith.constant 0 : i32
    %dma_wait3A_332 = arith.constant 0 : i32
    %dma_wait3A_333 = tpu.memref_slice %arg6[%dma_wait3A_330, %dma_wait3A_331, %dma_wait3A_332] : memref<10x64x128xf32, #tpu.memory_space<vmem>> -> memref<1x64x128xf32, #tpu.memory_space<vmem>>
    %dma_wait3A_334 = tpu.memref_squeeze %dma_wait3A_333 : memref<1x64x128xf32, #tpu.memory_space<vmem>> -> memref<64x128xf32, #tpu.memory_space<vmem>>
    %dma_wait3A_335 = arith.constant 0 : i32
    %dma_wait3A_336 = tpu.memref_slice %arg5[%dma_wait3A_335] : memref<25600xi32, #tpu.memory_space<vmem>> -> memref<64xi32, #tpu.memory_space<vmem>>
    %dma_wait3A_337 = arith.constant 0 : i32
    %dma_wait3A_338 = arith.constant 0 : i32
    %dma_wait3A_339 = tpu.memref_slice %arg2[%dma_wait3A_337, %dma_wait3A_338] : memref<100000x128xf32, #tpu.memory_space<hbm>> -> memref<100000x128xf32, #tpu.memory_space<hbm>>
    tpu.wait_indirect_dma semaphore(%arg7 : memref<!tpu.dma_semaphore, #tpu.memory_space<semaphore_mem>>) src(%dma_wait3A_339 : memref<100000x128xf32, #tpu.memory_space<hbm>>) dst(%dma_wait3A_334 : memref<64x128xf32, #tpu.memory_space<vmem>>)
    %add3A_340 = arith.constant 25536 : i32
    %add3A_341 = arith.addi %mul3A_2, %add3A_340 : i32
    %dma_start3A_342 = arith.constant 9 : i32
    %dma_start3A_343 = arith.constant 0 : i32
    %dma_start3A_344 = arith.constant 0 : i32
    %dma_start3A_345 = tpu.memref_slice %arg6[%dma_start3A_342, %dma_start3A_343, %dma_start3A_344] : memref<10x64x128xf32, #tpu.memory_space<vmem>> -> memref<1x64x128xf32, #tpu.memory_space<vmem>>
    %dma_start3A_346 = tpu.memref_squeeze %dma_start3A_345 : memref<1x64x128xf32, #tpu.memory_space<vmem>> -> memref<64x128xf32, #tpu.memory_space<vmem>>
    %dma_start3A_347 = arith.constant 0 : i32
    %dma_start3A_348 = tpu.memref_slice %arg4[%add3A_341, %dma_start3A_347] : memref<819200x128xf32, #tpu.memory_space<hbm>> -> memref<64x128xf32, #tpu.memory_space<hbm>>
    %dma_start3A_349 = arith.constant 0 : i32
    %dma_start3A_350 = tpu.memref_slice %arg4[%add3A_341, %dma_start3A_349] : memref<819200x128xf32, #tpu.memory_space<hbm>> -> memref<64x128xf32, #tpu.memory_space<hbm>>
    %dma_start3A_351 = arith.constant 0 : i32
    %dma_start3A_352 = arith.constant 0 : i32
    %dma_start3A_353 = tpu.memref_slice %arg6[%dma_start3A_342, %dma_start3A_351, %dma_start3A_352] : memref<10x64x128xf32, #tpu.memory_space<vmem>> -> memref<1x64x128xf32, #tpu.memory_space<vmem>>
    %dma_start3A_354 = tpu.memref_squeeze %dma_start3A_353 : memref<1x64x128xf32, #tpu.memory_space<vmem>> -> memref<64x128xf32, #tpu.memory_space<vmem>>
    tpu.enqueue_dma source(%dma_start3A_354 : memref<64x128xf32, #tpu.memory_space<vmem>>) target(%dma_start3A_350 : memref<64x128xf32, #tpu.memory_space<hbm>>) target_semaphore(%arg8 : memref<!tpu.dma_semaphore, #tpu.memory_space<semaphore_mem>>)
    %dma_wait3A_355 = arith.constant 0 : i32
    %dma_wait3A_356 = arith.constant 0 : i32
    %dma_wait3A_357 = arith.constant 0 : i32
    %dma_wait3A_358 = tpu.memref_slice %arg6[%dma_wait3A_355, %dma_wait3A_356, %dma_wait3A_357] : memref<10x64x128xf32, #tpu.memory_space<vmem>> -> memref<1x64x128xf32, #tpu.memory_space<vmem>>
    %dma_wait3A_359 = tpu.memref_squeeze %dma_wait3A_358 : memref<1x64x128xf32, #tpu.memory_space<vmem>> -> memref<64x128xf32, #tpu.memory_space<vmem>>
    %dma_wait3A_360 = arith.constant 0 : i32
    %dma_wait3A_361 = tpu.memref_slice %arg4[%mul3A_2, %dma_wait3A_360] : memref<819200x128xf32, #tpu.memory_space<hbm>> -> memref<64x128xf32, #tpu.memory_space<hbm>>
    %dma_wait3A_362 = arith.constant 0 : i32
    %dma_wait3A_363 = tpu.memref_slice %arg4[%mul3A_2, %dma_wait3A_362] : memref<819200x128xf32, #tpu.memory_space<hbm>> -> memref<64x128xf32, #tpu.memory_space<hbm>>
    %dma_wait3A_364 = arith.constant 0 : i32
    %dma_wait3A_365 = arith.constant 0 : i32
    %dma_wait3A_366 = tpu.memref_slice %arg6[%dma_wait3A_355, %dma_wait3A_364, %dma_wait3A_365] : memref<10x64x128xf32, #tpu.memory_space<vmem>> -> memref<1x64x128xf32, #tpu.memory_space<vmem>>
    %dma_wait3A_367 = tpu.memref_squeeze %dma_wait3A_366 : memref<1x64x128xf32, #tpu.memory_space<vmem>> -> memref<64x128xf32, #tpu.memory_space<vmem>>
    tpu.wait_dma2 semaphore(%arg8 : memref<!tpu.dma_semaphore, #tpu.memory_space<semaphore_mem>>) src(%dma_wait3A_367 : memref<64x128xf32, #tpu.memory_space<vmem>>) dst(%dma_wait3A_363 : memref<64x128xf32, #tpu.memory_space<hbm>>)
    %dma_wait3A_368 = arith.constant 0 : i32
    %dma_wait3A_369 = arith.constant 0 : i32
    %dma_wait3A_370 = arith.constant 0 : i32
    %dma_wait3A_371 = tpu.memref_slice %arg6[%dma_wait3A_368, %dma_wait3A_369, %dma_wait3A_370] : memref<10x64x128xf32, #tpu.memory_space<vmem>> -> memref<1x64x128xf32, #tpu.memory_space<vmem>>
    %dma_wait3A_372 = tpu.memref_squeeze %dma_wait3A_371 : memref<1x64x128xf32, #tpu.memory_space<vmem>> -> memref<64x128xf32, #tpu.memory_space<vmem>>
    %dma_wait3A_373 = arith.constant 0 : i32
    %dma_wait3A_374 = tpu.memref_slice %arg4[%mul3A_2, %dma_wait3A_373] : memref<819200x128xf32, #tpu.memory_space<hbm>> -> memref<64x128xf32, #tpu.memory_space<hbm>>
    %dma_wait3A_375 = arith.constant 0 : i32
    %dma_wait3A_376 = tpu.memref_slice %arg4[%mul3A_2, %dma_wait3A_375] : memref<819200x128xf32, #tpu.memory_space<hbm>> -> memref<64x128xf32, #tpu.memory_space<hbm>>
    %dma_wait3A_377 = arith.constant 0 : i32
    %dma_wait3A_378 = arith.constant 0 : i32
    %dma_wait3A_379 = tpu.memref_slice %arg6[%dma_wait3A_368, %dma_wait3A_377, %dma_wait3A_378] : memref<10x64x128xf32, #tpu.memory_space<vmem>> -> memref<1x64x128xf32, #tpu.memory_space<vmem>>
    %dma_wait3A_380 = tpu.memref_squeeze %dma_wait3A_379 : memref<1x64x128xf32, #tpu.memory_space<vmem>> -> memref<64x128xf32, #tpu.memory_space<vmem>>
    tpu.wait_dma2 semaphore(%arg8 : memref<!tpu.dma_semaphore, #tpu.memory_space<semaphore_mem>>) src(%dma_wait3A_380 : memref<64x128xf32, #tpu.memory_space<vmem>>) dst(%dma_wait3A_376 : memref<64x128xf32, #tpu.memory_space<hbm>>)
    %dma_wait3A_381 = arith.constant 0 : i32
    %dma_wait3A_382 = arith.constant 0 : i32
    %dma_wait3A_383 = arith.constant 0 : i32
    %dma_wait3A_384 = tpu.memref_slice %arg6[%dma_wait3A_381, %dma_wait3A_382, %dma_wait3A_383] : memref<10x64x128xf32, #tpu.memory_space<vmem>> -> memref<1x64x128xf32, #tpu.memory_space<vmem>>
    %dma_wait3A_385 = tpu.memref_squeeze %dma_wait3A_384 : memref<1x64x128xf32, #tpu.memory_space<vmem>> -> memref<64x128xf32, #tpu.memory_space<vmem>>
    %dma_wait3A_386 = arith.constant 0 : i32
    %dma_wait3A_387 = tpu.memref_slice %arg4[%mul3A_2, %dma_wait3A_386] : memref<819200x128xf32, #tpu.memory_space<hbm>> -> memref<64x128xf32, #tpu.memory_space<hbm>>
    %dma_wait3A_388 = arith.constant 0 : i32
    %dma_wait3A_389 = tpu.memref_slice %arg4[%mul3A_2, %dma_wait3A_388] : memref<819200x128xf32, #tpu.memory_space<hbm>> -> memref<64x128xf32, #tpu.memory_space<hbm>>
    %dma_wait3A_390 = arith.constant 0 : i32
    %dma_wait3A_391 = arith.constant 0 : i32
    %dma_wait3A_392 = tpu.memref_slice %arg6[%dma_wait3A_381, %dma_wait3A_390, %dma_wait3A_391] : memref<10x64x128xf32, #tpu.memory_space<vmem>> -> memref<1x64x128xf32, #tpu.memory_space<vmem>>
    %dma_wait3A_393 = tpu.memref_squeeze %dma_wait3A_392 : memref<1x64x128xf32, #tpu.memory_space<vmem>> -> memref<64x128xf32, #tpu.memory_space<vmem>>
    tpu.wait_dma2 semaphore(%arg8 : memref<!tpu.dma_semaphore, #tpu.memory_space<semaphore_mem>>) src(%dma_wait3A_393 : memref<64x128xf32, #tpu.memory_space<vmem>>) dst(%dma_wait3A_389 : memref<64x128xf32, #tpu.memory_space<hbm>>)
    %dma_wait3A_394 = arith.constant 0 : i32
    %dma_wait3A_395 = arith.constant 0 : i32
    %dma_wait3A_396 = arith.constant 0 : i32
    %dma_wait3A_397 = tpu.memref_slice %arg6[%dma_wait3A_394, %dma_wait3A_395, %dma_wait3A_396] : memref<10x64x128xf32, #tpu.memory_space<vmem>> -> memref<1x64x128xf32, #tpu.memory_space<vmem>>
    %dma_wait3A_398 = tpu.memref_squeeze %dma_wait3A_397 : memref<1x64x128xf32, #tpu.memory_space<vmem>> -> memref<64x128xf32, #tpu.memory_space<vmem>>
    %dma_wait3A_399 = arith.constant 0 : i32
    %dma_wait3A_400 = tpu.memref_slice %arg4[%mul3A_2, %dma_wait3A_399] : memref<819200x128xf32, #tpu.memory_space<hbm>> -> memref<64x128xf32, #tpu.memory_space<hbm>>
    %dma_wait3A_401 = arith.constant 0 : i32
    %dma_wait3A_402 = tpu.memref_slice %arg4[%mul3A_2, %dma_wait3A_401] : memref<819200x128xf32, #tpu.memory_space<hbm>> -> memref<64x128xf32, #tpu.memory_space<hbm>>
    %dma_wait3A_403 = arith.constant 0 : i32
    %dma_wait3A_404 = arith.constant 0 : i32
    %dma_wait3A_405 = tpu.memref_slice %arg6[%dma_wait3A_394, %dma_wait3A_403, %dma_wait3A_404] : memref<10x64x128xf32, #tpu.memory_space<vmem>> -> memref<1x64x128xf32, #tpu.memory_space<vmem>>
    %dma_wait3A_406 = tpu.memref_squeeze %dma_wait3A_405 : memref<1x64x128xf32, #tpu.memory_space<vmem>> -> memref<64x128xf32, #tpu.memory_space<vmem>>
    tpu.wait_dma2 semaphore(%arg8 : memref<!tpu.dma_semaphore, #tpu.memory_space<semaphore_mem>>) src(%dma_wait3A_406 : memref<64x128xf32, #tpu.memory_space<vmem>>) dst(%dma_wait3A_402 : memref<64x128xf32, #tpu.memory_space<hbm>>)
    %dma_wait3A_407 = arith.constant 0 : i32
    %dma_wait3A_408 = arith.constant 0 : i32
    %dma_wait3A_409 = arith.constant 0 : i32
    %dma_wait3A_410 = tpu.memref_slice %arg6[%dma_wait3A_407, %dma_wait3A_408, %dma_wait3A_409] : memref<10x64x128xf32, #tpu.memory_space<vmem>> -> memref<1x64x128xf32, #tpu.memory_space<vmem>>
    %dma_wait3A_411 = tpu.memref_squeeze %dma_wait3A_410 : memref<1x64x128xf32, #tpu.memory_space<vmem>> -> memref<64x128xf32, #tpu.memory_space<vmem>>
    %dma_wait3A_412 = arith.constant 0 : i32
    %dma_wait3A_413 = tpu.memref_slice %arg4[%mul3A_2, %dma_wait3A_412] : memref<819200x128xf32, #tpu.memory_space<hbm>> -> memref<64x128xf32, #tpu.memory_space<hbm>>
    %dma_wait3A_414 = arith.constant 0 : i32
    %dma_wait3A_415 = tpu.memref_slice %arg4[%mul3A_2, %dma_wait3A_414] : memref<819200x128xf32, #tpu.memory_space<hbm>> -> memref<64x128xf32, #tpu.memory_space<hbm>>
    %dma_wait3A_416 = arith.constant 0 : i32
    %dma_wait3A_417 = arith.constant 0 : i32
    %dma_wait3A_418 = tpu.memref_slice %arg6[%dma_wait3A_407, %dma_wait3A_416, %dma_wait3A_417] : memref<10x64x128xf32, #tpu.memory_space<vmem>> -> memref<1x64x128xf32, #tpu.memory_space<vmem>>
    %dma_wait3A_419 = tpu.memref_squeeze %dma_wait3A_418 : memref<1x64x128xf32, #tpu.memory_space<vmem>> -> memref<64x128xf32, #tpu.memory_space<vmem>>
    tpu.wait_dma2 semaphore(%arg8 : memref<!tpu.dma_semaphore, #tpu.memory_space<semaphore_mem>>) src(%dma_wait3A_419 : memref<64x128xf32, #tpu.memory_space<vmem>>) dst(%dma_wait3A_415 : memref<64x128xf32, #tpu.memory_space<hbm>>)
    %dma_wait3A_420 = arith.constant 0 : i32
    %dma_wait3A_421 = arith.constant 0 : i32
    %dma_wait3A_422 = arith.constant 0 : i32
    %dma_wait3A_423 = tpu.memref_slice %arg6[%dma_wait3A_420, %dma_wait3A_421, %dma_wait3A_422] : memref<10x64x128xf32, #tpu.memory_space<vmem>> -> memref<1x64x128xf32, #tpu.memory_space<vmem>>
    %dma_wait3A_424 = tpu.memref_squeeze %dma_wait3A_423 : memref<1x64x128xf32, #tpu.memory_space<vmem>> -> memref<64x128xf32, #tpu.memory_space<vmem>>
    %dma_wait3A_425 = arith.constant 0 : i32
    %dma_wait3A_426 = tpu.memref_slice %arg4[%mul3A_2, %dma_wait3A_425] : memref<819200x128xf32, #tpu.memory_space<hbm>> -> memref<64x128xf32, #tpu.memory_space<hbm>>
    %dma_wait3A_427 = arith.constant 0 : i32
    %dma_wait3A_428 = tpu.memref_slice %arg4[%mul3A_2, %dma_wait3A_427] : memref<819200x128xf32, #tpu.memory_space<hbm>> -> memref<64x128xf32, #tpu.memory_space<hbm>>
    %dma_wait3A_429 = arith.constant 0 : i32
    %dma_wait3A_430 = arith.constant 0 : i32
    %dma_wait3A_431 = tpu.memref_slice %arg6[%dma_wait3A_420, %dma_wait3A_429, %dma_wait3A_430] : memref<10x64x128xf32, #tpu.memory_space<vmem>> -> memref<1x64x128xf32, #tpu.memory_space<vmem>>
    %dma_wait3A_432 = tpu.memref_squeeze %dma_wait3A_431 : memref<1x64x128xf32, #tpu.memory_space<vmem>> -> memref<64x128xf32, #tpu.memory_space<vmem>>
    tpu.wait_dma2 semaphore(%arg8 : memref<!tpu.dma_semaphore, #tpu.memory_space<semaphore_mem>>) src(%dma_wait3A_432 : memref<64x128xf32, #tpu.memory_space<vmem>>) dst(%dma_wait3A_428 : memref<64x128xf32, #tpu.memory_space<hbm>>)
    %dma_wait3A_433 = arith.constant 0 : i32
    %dma_wait3A_434 = arith.constant 0 : i32
    %dma_wait3A_435 = arith.constant 0 : i32
    %dma_wait3A_436 = tpu.memref_slice %arg6[%dma_wait3A_433, %dma_wait3A_434, %dma_wait3A_435] : memref<10x64x128xf32, #tpu.memory_space<vmem>> -> memref<1x64x128xf32, #tpu.memory_space<vmem>>
    %dma_wait3A_437 = tpu.memref_squeeze %dma_wait3A_436 : memref<1x64x128xf32, #tpu.memory_space<vmem>> -> memref<64x128xf32, #tpu.memory_space<vmem>>
    %dma_wait3A_438 = arith.constant 0 : i32
    %dma_wait3A_439 = tpu.memref_slice %arg4[%mul3A_2, %dma_wait3A_438] : memref<819200x128xf32, #tpu.memory_space<hbm>> -> memref<64x128xf32, #tpu.memory_space<hbm>>
    %dma_wait3A_440 = arith.constant 0 : i32
    %dma_wait3A_441 = tpu.memref_slice %arg4[%mul3A_2, %dma_wait3A_440] : memref<819200x128xf32, #tpu.memory_space<hbm>> -> memref<64x128xf32, #tpu.memory_space<hbm>>
    %dma_wait3A_442 = arith.constant 0 : i32
    %dma_wait3A_443 = arith.constant 0 : i32
    %dma_wait3A_444 = tpu.memref_slice %arg6[%dma_wait3A_433, %dma_wait3A_442, %dma_wait3A_443] : memref<10x64x128xf32, #tpu.memory_space<vmem>> -> memref<1x64x128xf32, #tpu.memory_space<vmem>>
    %dma_wait3A_445 = tpu.memref_squeeze %dma_wait3A_444 : memref<1x64x128xf32, #tpu.memory_space<vmem>> -> memref<64x128xf32, #tpu.memory_space<vmem>>
    tpu.wait_dma2 semaphore(%arg8 : memref<!tpu.dma_semaphore, #tpu.memory_space<semaphore_mem>>) src(%dma_wait3A_445 : memref<64x128xf32, #tpu.memory_space<vmem>>) dst(%dma_wait3A_441 : memref<64x128xf32, #tpu.memory_space<hbm>>)
    %dma_wait3A_446 = arith.constant 0 : i32
    %dma_wait3A_447 = arith.constant 0 : i32
    %dma_wait3A_448 = arith.constant 0 : i32
    %dma_wait3A_449 = tpu.memref_slice %arg6[%dma_wait3A_446, %dma_wait3A_447, %dma_wait3A_448] : memref<10x64x128xf32, #tpu.memory_space<vmem>> -> memref<1x64x128xf32, #tpu.memory_space<vmem>>
    %dma_wait3A_450 = tpu.memref_squeeze %dma_wait3A_449 : memref<1x64x128xf32, #tpu.memory_space<vmem>> -> memref<64x128xf32, #tpu.memory_space<vmem>>
    %dma_wait3A_451 = arith.constant 0 : i32
    %dma_wait3A_452 = tpu.memref_slice %arg4[%mul3A_2, %dma_wait3A_451] : memref<819200x128xf32, #tpu.memory_space<hbm>> -> memref<64x128xf32, #tpu.memory_space<hbm>>
    %dma_wait3A_453 = arith.constant 0 : i32
    %dma_wait3A_454 = tpu.memref_slice %arg4[%mul3A_2, %dma_wait3A_453] : memref<819200x128xf32, #tpu.memory_space<hbm>> -> memref<64x128xf32, #tpu.memory_space<hbm>>
    %dma_wait3A_455 = arith.constant 0 : i32
    %dma_wait3A_456 = arith.constant 0 : i32
    %dma_wait3A_457 = tpu.memref_slice %arg6[%dma_wait3A_446, %dma_wait3A_455, %dma_wait3A_456] : memref<10x64x128xf32, #tpu.memory_space<vmem>> -> memref<1x64x128xf32, #tpu.memory_space<vmem>>
    %dma_wait3A_458 = tpu.memref_squeeze %dma_wait3A_457 : memref<1x64x128xf32, #tpu.memory_space<vmem>> -> memref<64x128xf32, #tpu.memory_space<vmem>>
    tpu.wait_dma2 semaphore(%arg8 : memref<!tpu.dma_semaphore, #tpu.memory_space<semaphore_mem>>) src(%dma_wait3A_458 : memref<64x128xf32, #tpu.memory_space<vmem>>) dst(%dma_wait3A_454 : memref<64x128xf32, #tpu.memory_space<hbm>>)
    %dma_wait3A_459 = arith.constant 0 : i32
    %dma_wait3A_460 = arith.constant 0 : i32
    %dma_wait3A_461 = arith.constant 0 : i32
    %dma_wait3A_462 = tpu.memref_slice %arg6[%dma_wait3A_459, %dma_wait3A_460, %dma_wait3A_461] : memref<10x64x128xf32, #tpu.memory_space<vmem>> -> memref<1x64x128xf32, #tpu.memory_space<vmem>>
    %dma_wait3A_463 = tpu.memref_squeeze %dma_wait3A_462 : memref<1x64x128xf32, #tpu.memory_space<vmem>> -> memref<64x128xf32, #tpu.memory_space<vmem>>
    %dma_wait3A_464 = arith.constant 0 : i32
    %dma_wait3A_465 = tpu.memref_slice %arg4[%mul3A_2, %dma_wait3A_464] : memref<819200x128xf32, #tpu.memory_space<hbm>> -> memref<64x128xf32, #tpu.memory_space<hbm>>
    %dma_wait3A_466 = arith.constant 0 : i32
    %dma_wait3A_467 = tpu.memref_slice %arg4[%mul3A_2, %dma_wait3A_466] : memref<819200x128xf32, #tpu.memory_space<hbm>> -> memref<64x128xf32, #tpu.memory_space<hbm>>
    %dma_wait3A_468 = arith.constant 0 : i32
    %dma_wait3A_469 = arith.constant 0 : i32
    %dma_wait3A_470 = tpu.memref_slice %arg6[%dma_wait3A_459, %dma_wait3A_468, %dma_wait3A_469] : memref<10x64x128xf32, #tpu.memory_space<vmem>> -> memref<1x64x128xf32, #tpu.memory_space<vmem>>
    %dma_wait3A_471 = tpu.memref_squeeze %dma_wait3A_470 : memref<1x64x128xf32, #tpu.memory_space<vmem>> -> memref<64x128xf32, #tpu.memory_space<vmem>>
    tpu.wait_dma2 semaphore(%arg8 : memref<!tpu.dma_semaphore, #tpu.memory_space<semaphore_mem>>) src(%dma_wait3A_471 : memref<64x128xf32, #tpu.memory_space<vmem>>) dst(%dma_wait3A_467 : memref<64x128xf32, #tpu.memory_space<hbm>>)
    %dma_wait3A_472 = arith.constant 0 : i32
    %dma_wait3A_473 = arith.constant 0 : i32
    %dma_wait3A_474 = arith.constant 0 : i32
    %dma_wait3A_475 = tpu.memref_slice %arg6[%dma_wait3A_472, %dma_wait3A_473, %dma_wait3A_474] : memref<10x64x128xf32, #tpu.memory_space<vmem>> -> memref<1x64x128xf32, #tpu.memory_space<vmem>>
    %dma_wait3A_476 = tpu.memref_squeeze %dma_wait3A_475 : memref<1x64x128xf32, #tpu.memory_space<vmem>> -> memref<64x128xf32, #tpu.memory_space<vmem>>
    %dma_wait3A_477 = arith.constant 0 : i32
    %dma_wait3A_478 = tpu.memref_slice %arg4[%mul3A_2, %dma_wait3A_477] : memref<819200x128xf32, #tpu.memory_space<hbm>> -> memref<64x128xf32, #tpu.memory_space<hbm>>
    %dma_wait3A_479 = arith.constant 0 : i32
    %dma_wait3A_480 = tpu.memref_slice %arg4[%mul3A_2, %dma_wait3A_479] : memref<819200x128xf32, #tpu.memory_space<hbm>> -> memref<64x128xf32, #tpu.memory_space<hbm>>
    %dma_wait3A_481 = arith.constant 0 : i32
    %dma_wait3A_482 = arith.constant 0 : i32
    %dma_wait3A_483 = tpu.memref_slice %arg6[%dma_wait3A_472, %dma_wait3A_481, %dma_wait3A_482] : memref<10x64x128xf32, #tpu.memory_space<vmem>> -> memref<1x64x128xf32, #tpu.memory_space<vmem>>
    %dma_wait3A_484 = tpu.memref_squeeze %dma_wait3A_483 : memref<1x64x128xf32, #tpu.memory_space<vmem>> -> memref<64x128xf32, #tpu.memory_space<vmem>>
    tpu.wait_dma2 semaphore(%arg8 : memref<!tpu.dma_semaphore, #tpu.memory_space<semaphore_mem>>) src(%dma_wait3A_484 : memref<64x128xf32, #tpu.memory_space<vmem>>) dst(%dma_wait3A_480 : memref<64x128xf32, #tpu.memory_space<hbm>>)
    return
  }
}

</mosaic_0001>

<sc_bundles>
// kernel: kernel.3.cloned.1.call-start
scs
__scs_entry_jumppad:
0x0: {  	(pc) =	sbr.rel $0x88, $3  }
0x1: {  	(tag) =	ssettag $0x0;
	lr =	simm.s32 $0x1  }
0x2: {  	[smem:$0x3F9F] =	sst lr;
	_ =	strace $0xD0000000  }
0x3: {  	_ = 	snop  }
0x4: {  	_ = 	snop  }
0x5: {  	_ = 	snop  }
0x6: {  	_ = 	snop  }
0x7: {  	_ = 	snop  }
__scs_overlays_trampoline_lowered:
0x8: {  	[smem:$0x3FAE] =	sst s0  }
0x9: {  	[smem:$0x3FAF] =	sst s1  }
0xa: {  	[smem:$0x3FB0] =	sst s2  }
0xb: {  	[smem:$0x3FB1] =	sst s3  }
0xc: {  	[smem:$0x3FB2] =	sst s4  }
0xd: {  	[smem:$0x3FB3] =	sst s5  }
0xe: {  	[smem:$0x3FB4] =	sst s6  }
0xf: {  	[smem:$0x3FB5] =	sst s7  }
0x10: {  	[smem:$0x3FB6] =	sst s8  }
0x11: {  	[smem:$0x3FB7] =	sst s9;
	s0 =	simm.s32 @!p0 $0x0  }
0x12: {  	s1 =	sld [smem:$0x3F9D];
	s0 =	simm.s32 @p0 $0x1  }
0x13: {  	[smem:$0x3FB8] =	sst s0;
	s0 =	simm.s32 @!p1 $0x0  }
0x14: {  	s2 =	sld [smem:$0x3F9C];
	s0 =	simm.s32 @p1 $0x1  }
0x15: {  	[smem:$0x3FB9] =	sst s0;
	s0 =	simm.s32 @!p2 $0x0  }
0x16: {  	s3 =	sld [smem:$0x3FDB];
	s0 =	simm.s32 @p2 $0x1  }
0x17: {  	s4 =	simm.s32 $0x1BF5;
	[smem:$0x3FBB] =	sst s0  }
0x18: {  	s0 =	sld [smem:$0x3F9E];
	_ =	swait.ge [sflag:s4], $0x0  }
0x19: {  	s7 =	sld [smem:$0x3F9F]  }
0x1a: {  	s8 =	sadd.s32 $0xFFFFE003, lr  }
0x1b: {  	s9 =	sadd.s32 $0xFFFFFEF7, lr;
	s5 =	simm.s32 $0xFFFFFFFF;
	p2 =	slt.u32 s8, $0xFFFFF086  }
0x1c: {  	p1 =	slt.u32 s9, $0xF7A;
	s5 =	simm.s32 @!p2 $0x0  }
0x1d: {  	s5 =	simm.s32 @p1 $0x1;
	p0 =	seq.s32 s7, s2  }
0x1e: {  	s7 =	smul.u32 @!p0 $0xF7A, s2;
	p2 =	seq.s32 @!p0 s5, $0x0  }
0x1f: {  	s9 =	smul.u32 $0xF7A, s1;
	s8 =	simm.s32 @!p0 $0x1BF5;
	p2 =	por !p2, p0  }
0x20: {  	[sflag:s8] =	ssyncset.s32 @!p0 $0xFFFFF086;
	s6 =	sadd.s32 @!p0 s3, s7;
	s7 =	simm.s32 @!p0 $0x108  }
0x21: {  	s3 =	sadd.s32 s3, s9;
	s6 =	sadd.s32 @!p0 $0x88, s6;
	s7 =	simm.s32 @p2 $0x1082  }
0x22: {  	[simem:s7], [sflag:s8] =	dma.local @!p0 [hbm:s6], $0xF7A  }
0x23: {  	s9 =	sor.u32 $0xD0000000, s2;
	s6 =	simm.s32 $0x108;
	_ =	swait.ge @!p0 [sflag:s8], $0x0  }
0x24: {  	s3 =	sadd.s32 $0x88, s3;
	s6 =	simm.s32 @!p1 $0x1082;
	[sflag:s4] =	ssyncset.s32 $0xFFFFF086  }
0x25: {  	[simem:s6], [sflag:s4] =	dma.local [hbm:s3], $0xF7A  }
0x26: {  	[smem:$0x3F9F] =	sst s1;
	(tag) =	ssettag s2;
	_ =	strace s9  }
0x27: {  	s1 =	sld [smem:$0x3FAF]  }
0x28: {  	s2 =	sld [smem:$0x3FB0]  }
0x29: {  	s4 =	sld [smem:$0x3FB2]  }
0x2a: {  	p0 =	seq.s32 s5, $0x0;
	s5 =	sld [smem:$0x3FB3]  }
0x2b: {  	s6 =	sld [smem:$0x3FB4]  }
0x2c: {  	s7 =	sld [smem:$0x3FB5]  }
0x2d: {  	s3 =	simm.s32 $0x108;
	s8 =	sld [smem:$0x3FB6]  }
0x2e: {  	s3 =	simm.s32 @!p0 $0x1082;
	s9 =	sld [smem:$0x3FB7]  }
0x2f: {  	lr =	sadd.s32 s0, s3;
	s0 =	sld [smem:$0x3FAE]  }
0x30: {  	s3 =	sld [smem:$0x3FB1]  }
0x31: {  	[smem:$0x3FBA] =	sst s10  }
0x32: {  	s10 =	sld [smem:$0x3FB8];
	_ =	sdelay $0x3  }
0x33: {  	p0 =	seq.s32 s10, $0x1;
	s10 =	sld [smem:$0x3FBA];
	_ =	sdelay $0x3  }
0x34: {  	[smem:$0x3FBA] =	sst s10  }
0x35: {  	s10 =	sld [smem:$0x3FB9];
	_ =	sdelay $0x3  }
0x36: {  	p1 =	seq.s32 s10, $0x1;
	s10 =	sld [smem:$0x3FBA];
	_ =	sdelay $0x3  }
0x37: {  	[smem:$0x3FBA] =	sst s10  }
0x38: {  	s10 =	sld [smem:$0x3FBB]  }
0x39: {  	_ = 	snop;
	(pc) =	sbr.ind lr, $3  }
0x3a: {  	_ = 	snop  }
0x3b: {  	_ = 	snop  }
0x3c: {  	p2 =	seq.s32 s10, $0x1;
	s10 =	sld [smem:$0x3FBA]  }
0x3d: {  	_ =	shalt  }
0x3e: {  	_ =	shalt  }
0x3f: {  	_ =	shalt  }
0x40: {  	_ =	shalt  }
0x41: {  	_ =	shalt  }
0x42: {  	_ =	shalt  }
0x43: {  	_ =	shalt  }
0x44: {  	_ =	shalt  }
0x45: {  	_ =	shalt  }
0x46: {  	_ =	shalt  }
0x47: {  	_ =	shalt  }
0x48: {  	_ =	shalt  }
0x49: {  	_ =	shalt  }
0x4a: {  	_ =	shalt  }
0x4b: {  	_ =	shalt  }
0x4c: {  	_ =	shalt  }
0x4d: {  	_ =	shalt  }
0x4e: {  	_ =	shalt  }
0x4f: {  	_ =	shalt  }
0x50: {  	_ =	shalt  }
0x51: {  	_ =	shalt  }
0x52: {  	_ =	shalt  }
0x53: {  	_ =	shalt  }
0x54: {  	_ =	shalt  }
0x55: {  	_ =	shalt  }
0x56: {  	_ =	shalt  }
0x57: {  	_ =	shalt  }
0x58: {  	_ =	shalt  }
0x59: {  	_ =	shalt  }
0x5a: {  	_ =	shalt  }
0x5b: {  	_ =	shalt  }
0x5c: {  	_ =	shalt  }
0x5d: {  	_ =	shalt  }
0x5e: {  	_ =	shalt  }
0x5f: {  	_ =	shalt  }
0x60: {  	_ =	shalt  }
0x61: {  	_ =	shalt  }
0x62: {  	_ =	shalt  }
0x63: {  	_ =	shalt  }
0x64: {  	_ =	shalt  }
0x65: {  	_ =	shalt  }
0x66: {  	_ =	shalt  }
0x67: {  	_ =	shalt  }
0x68: {  	_ =	shalt  }
0x69: {  	_ =	shalt  }
0x6a: {  	_ =	shalt  }
0x6b: {  	_ =	shalt  }
0x6c: {  	_ =	shalt  }
0x6d: {  	_ =	shalt  }
0x6e: {  	_ =	shalt  }
0x6f: {  	_ =	shalt  }
0x70: {  	_ =	shalt  }
0x71: {  	_ =	shalt  }
0x72: {  	_ =	shalt  }
0x73: {  	_ =	shalt  }
0x74: {  	_ =	shalt  }
0x75: {  	_ =	shalt  }
0x76: {  	_ =	shalt  }
0x77: {  	_ =	shalt  }
0x78: {  	_ =	shalt  }
0x79: {  	_ =	shalt  }
0x7a: {  	_ =	shalt  }
0x7b: {  	_ =	shalt  }
0x7c: {  	_ =	shalt  }
0x7d: {  	_ =	shalt  }
0x7e: {  	_ =	shalt  }
0x7f: {  	_ =	shalt  }
0x80: {  	_ =	shalt  }
0x81: {  	_ =	shalt  }
0x82: {  	_ =	shalt  }
0x83: {  	_ =	shalt  }
0x84: {  	_ =	shalt  }
0x85: {  	_ =	shalt  }
0x86: {  	_ =	shalt  }
0x87: {  	_ =	shalt  }
.Lfunc_end0:
.L_simem_size_0:
called_computation_lowered:
.L_overlay_start_0:
0x88: {  	s2 =	sld [smem:$0x3FD9]  }
0x89: {  	s3 =	sld [smem:$0x3FFE];
	_ =	sdelay $0x1  }
0x8a: {  	s1 =	srdreg.scid  }
0x8b: {  	s0 =	sand.u32 $0x1, s1  }
0x8c: {  	s17 =	sshll.u32 s0, $0xA;
	s2 =	sadd.s32 s3, s2  }
0x8d: {  	s2 =	sadd.s32 s2, s17  }
0x8e: {  	[smem:$0x3FC6] =	sst s2  }
0x8f: {  	_ = 	snop  }
0x90: {  	s2 =	sld [smem:$0x3FC8]  }
0x91: {  	s18 =	sld [smem:$0x3FD0];
	(tm) =	ssettm $0x1  }
0x92: {  	s4 =	sld [smem:$0x3FFB];
	_ =	sdelay $0x3  }
0x93: {  	_ =	strace s4  }
0x94: {  	s4 =	sld [smem:$0x3FFC];
	_ =	sdelay $0x3  }
0x95: {  	_ =	strace s4  }
0x96: {  	s4 =	sld [smem:$0x3FFD];
	_ =	sdelay $0x3  }
0x97: {  	_ =	strace s4  }
0x98: {  	_ =	strace $0x8FFFFFFF  }
0x99: {  	s19 =	sld [smem:$0x3FDB];
	_ =	sdelay $0x1  }
0x9a: {  	s5 =	simm.s32 $_scs_section_size  }
0x9b: {  	s6 =	simm.s32 $_size__tile_overlayer_lowered;
	s7 =	simm.s32 $_tile_overlayer_lowered  }
0x9c: {  	s22 =	simm.s32 $0x1BFF;
	s21 =	sshll.u32 s7, $0x1;
	s4 =	sadd.s32 s5, s19  }
0x9d: {  	s8 =	simm.s32 $0x0;
	s20 =	sshll.u32 s6, $0x1;
	s6 =	sadd.s32 s21, s4  }
0x9e: {  	[timem:s8], [sflag:s22] =	dma.local [hbm:s6], s20  }
0x9f: {  	_ =	swait.ge [sflag:s22], s20  }
0xa0: {  	s5 =	ssub.s32 $0x0, s20;
	[sflag:s22] =	ssyncset.done $0x0  }
0xa1: {  	[sflag:s22] =	ssyncadd.s32 s5;
	_ =	sdelay $0x1  }
0xa2: {  	s23 =	simm.s32 $0x1B8B  }
0xa3: {  	_ =	swait.ge [sflag:s23], $0x1  }
0xa4: {  	[sflag:s23] =	ssyncset.done $0x0  }
0xa5: {  	s25 =	simm.s32 $0x1B8E;
	s24 =	sld [smem:$0x3FFE];
	[sflag:s23] =	ssyncadd.s32 $0xFFFFFFFF  }
0xa6: {  	s26 =	simm.s32 $execute0_lowered;
	[smem:$0x3FD2] =	sst s25  }
0xa7: {  	s6 =	sshll.u32 s26, $0x1;
	_ =	strace $0x80000046;
	[dreg:$0x1] =	wrdreg $0xFFFFFFFF  }
0xa8: {  	s28 =	simm.s32 $_size_execute0_lowered;
	s4 =	sadd.s32 s4, s6;
	[dreg:$0x0] =	wrdreg $0x0  }
0xa9: {  	s6 =	sshll.u32 s28, $0x1;
	[dreg:$0x2] =	wrdreg s4  }
0xaa: {  	[dreg:$0x3] =	wrdreg s6  }
0xab: {  	[dreg:$0x4] =	wrdreg $0xC0  }
0xac: {  	_ =	task [dreg:s8], $0x5FFFF  }
0xad: {  	[dreg:$0x1] =	wrdreg $0xFFFFFFFF  }
0xae: {  	[dreg:$0x0] =	wrdreg $0x60  }
0xaf: {  	[dreg:$0x2] =	wrdreg s2  }
0xb0: {  	[dreg:$0x3] =	wrdreg s24  }
0xb1: {  	[dreg:$0x4] =	wrdreg s18  }
0xb2: {  	[dreg:$0x5] =	wrdreg $0x9  }
0xb3: {  	_ =	task.clear_ibuf [dreg:s8], $0x6FFFF;
	_ =	strace $0x90000046  }
0xb4: {  	s29 =	simm.s32 $0x9;
	_ =	strace $0x80000048  }
0xb5: {  	_ =	swait.ge [sflag:s29], $0x1  }
0xb6: {  	[sflag:s29] =	ssyncadd.s32 $0xFFFFFFFF  }
0xb7: {  	_ =	strace $0x90000048  }
0xb8: {  	_ =	sfence  }
0xb9: {  	s30 =	sld [smem:$0x0];
	_ =	sdelay $0x2  }
0xba: {  	s31 =	sshll.u32 s1, $0xD;
	s1 =	sshrl.u32 s1, $0x2  }
0xbb: {  	s3 =	sand.u32 $0x4000, s31;
	s1 =	sadd.s32 s1, s30  }
0xbc: {  	s0 =	sor.u32 s3, s0;
	s1 =	sshll.u32 s1, $0x11  }
0xbd: {  	s0 =	sor.u32 s1, s0  }
0xbe: {  	s0 =	sadd.s32 $0x8F2B, s0  }
0xbf: {  	[sflag:s0] =	ssyncadd.remote.s32 $0x1  }
0xc0: {  	_ =	sfence.sel $0xFFFF  }
0xc1: {  	[dreg:$0x0] =	wrdreg $0xFFFFFFFF;
	(pc) =	sbr.abs _section_cstart, $3  }
0xc2: {  	[dreg:$0x1] =	wrdreg $0xFFFFFFFF  }
0xc3: {  	_ =	task.clear_ibuf [dreg:s8], $0x2FFFF;
	_ =	strace $0x9FFFFFFF  }
0xc4: {  	(tm) =	ssettm $0x7FFFFFFF  }
0xc5: {  	_ =	shalt  }
tec
execute0_lowered:
.L_overlay_start_1:
0x0: {  	(tag) =	ssettag $0x1  }
0x1: {  	s1 =	rddreg [dreg:$0x0]  }
0x2: {  	s0 =	srdreg.scid;
	s4 =	rddreg [dreg:$0x1]  }
0x3: {  	s10 =	stileid.u32;
	s5 =	rddreg [dreg:$0x2]  }
0x4: {  	s3 =	simm.s32 $0x0;
	s17 =	simm.s32 $0x3;
	s18 =	simm.s32 $0x40  }
0x5: {  	s19 =	simm.s32 $0x6400;
	s20 =	simm.s32 $0x8400;
	s22 =	simm.s32 $0xA400  }
0x6: {  	s29 =	simm.s32 $0x10400;
	s31 =	simm.s32 $0x12400;
	s28 =	simm.s32 $0x18400  }
0x7: {  	s0 =	sand.u32 $0x1, s0;
	s2 =	sshll.u32 s10, $0x1;
	s26 =	smul.u32 $0xC8000, s10  }
0x8: {  	s2 =	sor.u32 s0, s2;
	s23 =	ssub.s32 $0x2, s0;
	s0 =	smul.u32 $0x64000, s0  }
0x9: {  	s30 =	simm.s32 $0x1;
	s21 =	simm.s32 $0x0;
	s6 =	smul.u32 $0x6400, s2  }
0xa: {  	[smem:$0x7FF] =	sst s3;
	s7 =	smul.u32 $0x320000, s2;
	s8 =	sshrl.u32 s23, $0x1  }
0xb: {  	_ =	strace $0x80000047;
	s2 =	smul.u32 $0x64000, s2;
	s15 =	ssub.s32 s23, s8  }
0xc: {  	s23 =	simm.s32 $0x16400;
	s6 =	sshrl.u32 s6, $0x3;
	s7 =	sshrl.u32 s7, $0x3  }
0xd: {  	s2 =	sadd.s32 s5, s2;
	s15 =	smax.u32 s15, $0x1;
	s4 =	sadd.s32 s6, s4  }
0xe: {  	s24 =	sadd.s32 s5, s7;
	[dreg:$0x5] =	wrdreg s2;
	s2 =	sadd.s32 s26, s5  }
0xf: {  	s26 =	simm.s32 $0xE400;
	s4 =	sadd.s32 $0x400, s4;
	s25 =	sadd.s32 $0x61C00, s24  }
0x10: {  	s7 =	sadd.s32 $0x62000, s24;
	s8 =	sadd.s32 $0x62400, s24;
	s9 =	sadd.s32 $0x62800, s24  }
0x11: {  	s10 =	sadd.s32 $0x62C00, s24;
	s11 =	sadd.s32 $0x63000, s24;
	s12 =	sadd.s32 $0x63400, s24  }
0x12: {  	s13 =	sadd.s32 $0x63800, s24;
	s14 =	sadd.s32 $0x63C00, s24;
	s0 =	sadd.s32 s0, s2  }
0x13: {  	s24 =	simm.s32 $0xC400;
	s2 =	simm.s32 $0x2;
	[dreg:$0x4] =	wrdreg s4  }
0x14: {  	[dreg:$0x6] =	wrdreg s25;
	s16 =	sadd.s32 $0x1400, s0;
	s0 =	simm.s32 $0x14400  }
.LBB2_1:
0x15: {  	s4 =	rddreg [dreg:$0x4]  }
0x16: {  	[tilespmem:s3], [sflag:$0x3] =	stream.linear.gather [hbm4b:s4+s3], $0x6400, $0x38;
	[tilespmem:$0x1A400] =	vst v63  }
0x17: {  	_ =	swait.ge [sflag:s17], $0x6400  }
0x18: {  	[sflag:s17] =	ssyncset.done $0x0  }
0x19: {  	[sflag:s17] =	ssyncadd.s32 $0xFFFF9C00  }
0x1a: {  	[tilespmem:s19], [sflag:$0x1] =	stream.indirect.gather [hbm4b:s1+s18], $0x80, s3, s18, $0xb8;
	[tilespmem:$0x1A400] =	vst v63  }
0x1b: {  	_ = 	snop  }
0x1c: {  	[tilespmem:s20], [sflag:$0x1] =	stream.indirect.gather [hbm4b:s1+s18], $0x80, s18, s18, $0xb8;
	[tilespmem:$0x1A400] =	vst v63  }
0x1d: {  	s5 =	simm.s32 $0x80  }
0x1e: {  	[tilespmem:s22], [sflag:$0x1] =	stream.indirect.gather [hbm4b:s1+s18], $0x80, s5, s18, $0xb8;
	[tilespmem:$0x1A400] =	vst v63  }
0x1f: {  	s6 =	simm.s32 $0xC0  }
0x20: {  	[tilespmem:s24], [sflag:$0x1] =	stream.indirect.gather [hbm4b:s1+s18], $0x80, s6, s18, $0xb8;
	[tilespmem:$0x1A400] =	vst v63  }
0x21: {  	s25 =	simm.s32 $0x100  }
0x22: {  	[tilespmem:s26], [sflag:$0x1] =	stream.indirect.gather [hbm4b:s1+s18], $0x80, s25, s18, $0xb8;
	[tilespmem:$0x1A400] =	vst v63  }
0x23: {  	s5 =	simm.s32 $0x140  }
0x24: {  	[tilespmem:s29], [sflag:$0x1] =	stream.indirect.gather [hbm4b:s1+s18], $0x80, s5, s18, $0xb8;
	[tilespmem:$0x1A400] =	vst v63  }
0x25: {  	s6 =	simm.s32 $0x180  }
0x26: {  	[tilespmem:s31], [sflag:$0x1] =	stream.indirect.gather [hbm4b:s1+s18], $0x80, s6, s18, $0xb8;
	[tilespmem:$0x1A400] =	vst v63  }
0x27: {  	s25 =	simm.s32 $0x1C0  }
0x28: {  	[tilespmem:s0], [sflag:$0x1] =	stream.indirect.gather [hbm4b:s1+s18], $0x80, s25, s18, $0xb8;
	[tilespmem:$0x1A400] =	vst v63  }
0x29: {  	s5 =	simm.s32 $0x200  }
0x2a: {  	[tilespmem:s23], [sflag:$0x1] =	stream.indirect.gather [hbm4b:s1+s18], $0x80, s5, s18, $0xb8;
	[tilespmem:$0x1A400] =	vst v63  }
0x2b: {  	s6 =	simm.s32 $0x240  }
0x2c: {  	[tilespmem:s28], [sflag:$0x1] =	stream.indirect.gather [hbm4b:s1+s18], $0x80, s6, s18, $0xb8;
	[tilespmem:$0x1A400] =	vst v63  }
0x2d: {  	_ =	swait.ge [sflag:s30], $0x2000  }
0x2e: {  	[sflag:s30] =	ssyncset.done $0x0  }
0x2f: {  	s25 =	rddreg [dreg:$0x5];
	[sflag:s30] =	ssyncadd.s32 $0xFFFFE000  }
0x30: {  	[hbm4b:s25+s3] =	stream.linear.scatter [tilespmem:s19], [sflag:$0x2], $0x2000, $0x38;
	[tilespmem:$0x1A400] =	vst v63  }
0x31: {  	_ =	swait.ge [sflag:s2], $0x2000  }
0x32: {  	[sflag:s2] =	ssyncset.done $0x0  }
0x33: {  	s5 =	simm.s32 $0x280;
	[sflag:s2] =	ssyncadd.s32 $0xFFFFE000  }
0x34: {  	[tilespmem:s19], [sflag:$0x1] =	stream.indirect.gather [hbm4b:s1+s18], $0x80, s5, s18, $0xb8;
	[tilespmem:$0x1A400] =	vst v63  }
0x35: {  	_ =	swait.ge [sflag:s30], $0x2000  }
0x36: {  	[sflag:s30] =	ssyncset.done $0x0  }
0x37: {  	s6 =	sadd.s32 $0xFFFFF000, s16;
	[sflag:s30] =	ssyncadd.s32 $0xFFFFE000  }
0x38: {  	[hbm4b:s6+s3] =	stream.linear.scatter [tilespmem:s20], [sflag:$0x2], $0x2000, $0x38;
	[tilespmem:$0x1A400] =	vst v63  }
0x39: {  	_ =	swait.ge [sflag:s2], $0x2000  }
0x3a: {  	[sflag:s2] =	ssyncset.done $0x0  }
0x3b: {  	s25 =	simm.s32 $0x2C0;
	[sflag:s2] =	ssyncadd.s32 $0xFFFFE000  }
0x3c: {  	[tilespmem:s20], [sflag:$0x1] =	stream.indirect.gather [hbm4b:s1+s18], $0x80, s25, s18, $0xb8;
	[tilespmem:$0x1A400] =	vst v63  }
0x3d: {  	_ =	swait.ge [sflag:s30], $0x2000  }
0x3e: {  	[sflag:s30] =	ssyncset.done $0x0  }
0x3f: {  	s5 =	sadd.s32 $0xFFFFF400, s16;
	[sflag:s30] =	ssyncadd.s32 $0xFFFFE000  }
0x40: {  	[hbm4b:s5+s3] =	stream.linear.scatter [tilespmem:s22], [sflag:$0x2], $0x2000, $0x38;
	[tilespmem:$0x1A400] =	vst v63  }
0x41: {  	_ =	swait.ge [sflag:s2], $0x2000  }
0x42: {  	[sflag:s2] =	ssyncset.done $0x0  }
0x43: {  	s6 =	simm.s32 $0x300;
	[sflag:s2] =	ssyncadd.s32 $0xFFFFE000  }
0x44: {  	[tilespmem:s22], [sflag:$0x1] =	stream.indirect.gather [hbm4b:s1+s18], $0x80, s6, s18, $0xb8;
	[tilespmem:$0x1A400] =	vst v63  }
0x45: {  	_ =	swait.ge [sflag:s30], $0x2000  }
0x46: {  	[sflag:s30] =	ssyncset.done $0x0  }
0x47: {  	s25 =	sadd.s32 $0xFFFFF800, s16;
	[sflag:s30] =	ssyncadd.s32 $0xFFFFE000  }
0x48: {  	[hbm4b:s25+s3] =	stream.linear.scatter [tilespmem:s24], [sflag:$0x2], $0x2000, $0x38;
	[tilespmem:$0x1A400] =	vst v63  }
0x49: {  	_ =	swait.ge [sflag:s2], $0x2000  }
0x4a: {  	[sflag:s2] =	ssyncset.done $0x0  }
0x4b: {  	s5 =	simm.s32 $0x340;
	[sflag:s2] =	ssyncadd.s32 $0xFFFFE000  }
0x4c: {  	[tilespmem:s24], [sflag:$0x1] =	stream.indirect.gather [hbm4b:s1+s18], $0x80, s5, s18, $0xb8;
	[tilespmem:$0x1A400] =	vst v63  }
0x4d: {  	_ =	swait.ge [sflag:s30], $0x2000  }
0x4e: {  	[sflag:s30] =	ssyncset.done $0x0  }
0x4f: {  	s6 =	sadd.s32 $0xFFFFFC00, s16;
	[sflag:s30] =	ssyncadd.s32 $0xFFFFE000  }
0x50: {  	[hbm4b:s6+s3] =	stream.linear.scatter [tilespmem:s26], [sflag:$0x2], $0x2000, $0x38;
	[tilespmem:$0x1A400] =	vst v63  }
0x51: {  	_ =	swait.ge [sflag:s2], $0x2000  }
0x52: {  	[sflag:s2] =	ssyncset.done $0x0  }
0x53: {  	s25 =	simm.s32 $0x380;
	[sflag:s2] =	ssyncadd.s32 $0xFFFFE000  }
0x54: {  	[tilespmem:s26], [sflag:$0x1] =	stream.indirect.gather [hbm4b:s1+s18], $0x80, s25, s18, $0xb8;
	[tilespmem:$0x1A400] =	vst v63  }
0x55: {  	_ =	swait.ge [sflag:s30], $0x2000  }
0x56: {  	[sflag:s30] =	ssyncset.done $0x0  }
0x57: {  	[sflag:s30] =	ssyncadd.s32 $0xFFFFE000  }
0x58: {  	[hbm4b:s16+s3] =	stream.linear.scatter [tilespmem:s29], [sflag:$0x2], $0x2000, $0x38;
	[tilespmem:$0x1A400] =	vst v63  }
0x59: {  	_ =	swait.ge [sflag:s2], $0x2000  }
0x5a: {  	[sflag:s2] =	ssyncset.done $0x0  }
0x5b: {  	s5 =	simm.s32 $0x3C0;
	[sflag:s2] =	ssyncadd.s32 $0xFFFFE000  }
0x5c: {  	[tilespmem:s29], [sflag:$0x1] =	stream.indirect.gather [hbm4b:s1+s18], $0x80, s5, s18, $0xb8;
	[tilespmem:$0x1A400] =	vst v63  }
0x5d: {  	_ =	swait.ge [sflag:s30], $0x2000  }
0x5e: {  	[sflag:s30] =	ssyncset.done $0x0  }
0x5f: {  	s6 =	sadd.s32 $0x400, s16;
	[sflag:s30] =	ssyncadd.s32 $0xFFFFE000  }
0x60: {  	[hbm4b:s6+s3] =	stream.linear.scatter [tilespmem:s31], [sflag:$0x2], $0x2000, $0x38;
	[tilespmem:$0x1A400] =	vst v63  }
0x61: {  	_ =	swait.ge [sflag:s2], $0x2000  }
0x62: {  	[sflag:s2] =	ssyncset.done $0x0  }
0x63: {  	s25 =	simm.s32 $0x400;
	[sflag:s2] =	ssyncadd.s32 $0xFFFFE000  }
0x64: {  	[tilespmem:s31], [sflag:$0x1] =	stream.indirect.gather [hbm4b:s1+s18], $0x80, s25, s18, $0xb8;
	[tilespmem:$0x1A400] =	vst v63  }
0x65: {  	_ =	swait.ge [sflag:s30], $0x2000  }
0x66: {  	[sflag:s30] =	ssyncset.done $0x0  }
0x67: {  	s5 =	sadd.s32 $0x800, s16;
	[sflag:s30] =	ssyncadd.s32 $0xFFFFE000  }
0x68: {  	[hbm4b:s5+s3] =	stream.linear.scatter [tilespmem:s0], [sflag:$0x2], $0x2000, $0x38;
	[tilespmem:$0x1A400] =	vst v63  }
0x69: {  	_ =	swait.ge [sflag:s2], $0x2000  }
0x6a: {  	[sflag:s2] =	ssyncset.done $0x0  }
0x6b: {  	s6 =	simm.s32 $0x440;
	[sflag:s2] =	ssyncadd.s32 $0xFFFFE000  }
0x6c: {  	[tilespmem:s0], [sflag:$0x1] =	stream.indirect.gather [hbm4b:s1+s18], $0x80, s6, s18, $0xb8;
	[tilespmem:$0x1A400] =	vst v63  }
0x6d: {  	_ =	swait.ge [sflag:s30], $0x2000  }
0x6e: {  	[sflag:s30] =	ssyncset.done $0x0  }
0x6f: {  	s25 =	sadd.s32 $0xC00, s16;
	[sflag:s30] =	ssyncadd.s32 $0xFFFFE000  }
0x70: {  	[hbm4b:s25+s3] =	stream.linear.scatter [tilespmem:s23], [sflag:$0x2], $0x2000, $0x38;
	[tilespmem:$0x1A400] =	vst v63  }
0x71: {  	_ =	swait.ge [sflag:s2], $0x2000  }
0x72: {  	[sflag:s2] =	ssyncset.done $0x0  }
0x73: {  	s5 =	simm.s32 $0x480;
	[sflag:s2] =	ssyncadd.s32 $0xFFFFE000  }
0x74: {  	[tilespmem:s23], [sflag:$0x1] =	stream.indirect.gather [hbm4b:s1+s18], $0x80, s5, s18, $0xb8;
	[tilespmem:$0x1A400] =	vst v63  }
0x75: {  	_ =	swait.ge [sflag:s30], $0x2000  }
0x76: {  	[sflag:s30] =	ssyncset.done $0x0  }
0x77: {  	s6 =	sadd.s32 $0x1000, s16;
	[sflag:s30] =	ssyncadd.s32 $0xFFFFE000  }
0x78: {  	[hbm4b:s6+s3] =	stream.linear.scatter [tilespmem:s28], [sflag:$0x2], $0x2000, $0x38;
	[tilespmem:$0x1A400] =	vst v63  }
0x79: {  	_ =	swait.ge [sflag:s2], $0x2000  }
0x7a: {  	[sflag:s2] =	ssyncset.done $0x0  }
0x7b: {  	s25 =	simm.s32 $0x4C0;
	[sflag:s2] =	ssyncadd.s32 $0xFFFFE000  }
0x7c: {  	[tilespmem:s28], [sflag:$0x1] =	stream.indirect.gather [hbm4b:s1+s18], $0x80, s25, s18, $0xb8;
	[tilespmem:$0x1A400] =	vst v63  }
0x7d: {  	_ =	swait.ge [sflag:s30], $0x2000  }
0x7e: {  	s4 =	sadd.s32 $0x2800, s16;
	[sflag:s30] =	ssyncset.done $0x0  }
0x7f: {  	s5 =	sadd.s32 $0x1400, s16;
	s25 =	simm.s32 $0xA00;
	[sflag:s30] =	ssyncadd.s32 $0xFFFFE000  }
.LBB2_2:
0x80: {  	[hbm4b:s5+s3] =	stream.linear.scatter [tilespmem:s19], [sflag:$0x2], $0x2000, $0x38;
	[tilespmem:$0x1A400] =	vst v63  }
0x81: {  	s5 =	smov.u32 s25  }
0x82: {  	p0 =	sne.s32 s25, $0x17C00;
	s25 =	sadd.s32 $0xA00, s25;
	_ =	swait.ge [sflag:s2], $0x2000  }
0x83: {  	s5 =	sshra.s32 s5, $0x2;
	[sflag:s2] =	ssyncset.done $0x0  }
0x84: {  	s6 =	sadd.s32 $0x280, s5;
	[sflag:s2] =	ssyncadd.s32 $0xFFFFE000  }
0x85: {  	[tilespmem:s19], [sflag:$0x1] =	stream.indirect.gather [hbm4b:s1+s18], $0x80, s6, s18, $0xb8;
	[tilespmem:$0x1A400] =	vst v63  }
0x86: {  	_ =	swait.ge [sflag:s30], $0x2000  }
0x87: {  	[sflag:s30] =	ssyncset.done $0x0  }
0x88: {  	s6 =	sadd.s32 $0xFFFFF000, s4;
	[sflag:s30] =	ssyncadd.s32 $0xFFFFE000  }
0x89: {  	[hbm4b:s6+s3] =	stream.linear.scatter [tilespmem:s20], [sflag:$0x2], $0x2000, $0x38;
	[tilespmem:$0x1A400] =	vst v63  }
0x8a: {  	_ =	swait.ge [sflag:s2], $0x2000  }
0x8b: {  	[sflag:s2] =	ssyncset.done $0x0  }
0x8c: {  	s6 =	sadd.s32 $0x2C0, s5;
	[sflag:s2] =	ssyncadd.s32 $0xFFFFE000  }
0x8d: {  	[tilespmem:s20], [sflag:$0x1] =	stream.indirect.gather [hbm4b:s1+s18], $0x80, s6, s18, $0xb8;
	[tilespmem:$0x1A400] =	vst v63  }
0x8e: {  	_ =	swait.ge [sflag:s30], $0x2000  }
0x8f: {  	[sflag:s30] =	ssyncset.done $0x0  }
0x90: {  	s6 =	sadd.s32 $0xFFFFF400, s4;
	[sflag:s30] =	ssyncadd.s32 $0xFFFFE000  }
0x91: {  	[hbm4b:s6+s3] =	stream.linear.scatter [tilespmem:s22], [sflag:$0x2], $0x2000, $0x38;
	[tilespmem:$0x1A400] =	vst v63  }
0x92: {  	_ =	swait.ge [sflag:s2], $0x2000  }
0x93: {  	[sflag:s2] =	ssyncset.done $0x0  }
0x94: {  	s6 =	sadd.s32 $0x300, s5;
	[sflag:s2] =	ssyncadd.s32 $0xFFFFE000  }
0x95: {  	[tilespmem:s22], [sflag:$0x1] =	stream.indirect.gather [hbm4b:s1+s18], $0x80, s6, s18, $0xb8;
	[tilespmem:$0x1A400] =	vst v63  }
0x96: {  	_ =	swait.ge [sflag:s30], $0x2000  }
0x97: {  	[sflag:s30] =	ssyncset.done $0x0  }
0x98: {  	s6 =	sadd.s32 $0xFFFFF800, s4;
	[sflag:s30] =	ssyncadd.s32 $0xFFFFE000  }
0x99: {  	[hbm4b:s6+s3] =	stream.linear.scatter [tilespmem:s24], [sflag:$0x2], $0x2000, $0x38;
	[tilespmem:$0x1A400] =	vst v63  }
0x9a: {  	_ =	swait.ge [sflag:s2], $0x2000  }
0x9b: {  	[sflag:s2] =	ssyncset.done $0x0  }
0x9c: {  	s6 =	sadd.s32 $0x340, s5;
	[sflag:s2] =	ssyncadd.s32 $0xFFFFE000  }
0x9d: {  	[tilespmem:s24], [sflag:$0x1] =	stream.indirect.gather [hbm4b:s1+s18], $0x80, s6, s18, $0xb8;
	[tilespmem:$0x1A400] =	vst v63  }
0x9e: {  	_ =	swait.ge [sflag:s30], $0x2000  }
0x9f: {  	[sflag:s30] =	ssyncset.done $0x0  }
0xa0: {  	s6 =	sadd.s32 $0xFFFFFC00, s4;
	[sflag:s30] =	ssyncadd.s32 $0xFFFFE000  }
0xa1: {  	[hbm4b:s6+s3] =	stream.linear.scatter [tilespmem:s26], [sflag:$0x2], $0x2000, $0x38;
	[tilespmem:$0x1A400] =	vst v63  }
0xa2: {  	_ =	swait.ge [sflag:s2], $0x2000  }
0xa3: {  	[sflag:s2] =	ssyncset.done $0x0  }
0xa4: {  	s6 =	sadd.s32 $0x380, s5;
	[sflag:s2] =	ssyncadd.s32 $0xFFFFE000  }
0xa5: {  	[tilespmem:s26], [sflag:$0x1] =	stream.indirect.gather [hbm4b:s1+s18], $0x80, s6, s18, $0xb8;
	[tilespmem:$0x1A400] =	vst v63  }
0xa6: {  	_ =	swait.ge [sflag:s30], $0x2000  }
0xa7: {  	[sflag:s30] =	ssyncset.done $0x0  }
0xa8: {  	[sflag:s30] =	ssyncadd.s32 $0xFFFFE000  }
0xa9: {  	[hbm4b:s4+s3] =	stream.linear.scatter [tilespmem:s29], [sflag:$0x2], $0x2000, $0x38;
	[tilespmem:$0x1A400] =	vst v63  }
0xaa: {  	_ =	swait.ge [sflag:s2], $0x2000  }
0xab: {  	[sflag:s2] =	ssyncset.done $0x0  }
0xac: {  	s6 =	sadd.s32 $0x3C0, s5;
	[sflag:s2] =	ssyncadd.s32 $0xFFFFE000  }
0xad: {  	[tilespmem:s29], [sflag:$0x1] =	stream.indirect.gather [hbm4b:s1+s18], $0x80, s6, s18, $0xb8;
	[tilespmem:$0x1A400] =	vst v63  }
0xae: {  	_ =	swait.ge [sflag:s30], $0x2000  }
0xaf: {  	[sflag:s30] =	ssyncset.done $0x0  }
0xb0: {  	s6 =	sadd.s32 $0x400, s4;
	[sflag:s30] =	ssyncadd.s32 $0xFFFFE000  }
0xb1: {  	[hbm4b:s6+s3] =	stream.linear.scatter [tilespmem:s31], [sflag:$0x2], $0x2000, $0x38;
	[tilespmem:$0x1A400] =	vst v63  }
0xb2: {  	_ =	swait.ge [sflag:s2], $0x2000  }
0xb3: {  	[sflag:s2] =	ssyncset.done $0x0  }
0xb4: {  	s6 =	sadd.s32 $0x400, s5;
	[sflag:s2] =	ssyncadd.s32 $0xFFFFE000  }
0xb5: {  	[tilespmem:s31], [sflag:$0x1] =	stream.indirect.gather [hbm4b:s1+s18], $0x80, s6, s18, $0xb8;
	[tilespmem:$0x1A400] =	vst v63  }
0xb6: {  	_ =	swait.ge [sflag:s30], $0x2000  }
0xb7: {  	[sflag:s30] =	ssyncset.done $0x0  }
0xb8: {  	s6 =	sadd.s32 $0x800, s4;
	[sflag:s30] =	ssyncadd.s32 $0xFFFFE000  }
0xb9: {  	[hbm4b:s6+s3] =	stream.linear.scatter [tilespmem:s0], [sflag:$0x2], $0x2000, $0x38;
	[tilespmem:$0x1A400] =	vst v63  }
0xba: {  	_ =	swait.ge [sflag:s2], $0x2000  }
0xbb: {  	[sflag:s2] =	ssyncset.done $0x0  }
0xbc: {  	s6 =	sadd.s32 $0x440, s5;
	[sflag:s2] =	ssyncadd.s32 $0xFFFFE000  }
0xbd: {  	[tilespmem:s0], [sflag:$0x1] =	stream.indirect.gather [hbm4b:s1+s18], $0x80, s6, s18, $0xb8;
	[tilespmem:$0x1A400] =	vst v63  }
0xbe: {  	_ =	swait.ge [sflag:s30], $0x2000  }
0xbf: {  	[sflag:s30] =	ssyncset.done $0x0  }
0xc0: {  	s6 =	sadd.s32 $0xC00, s4;
	[sflag:s30] =	ssyncadd.s32 $0xFFFFE000  }
0xc1: {  	[hbm4b:s6+s3] =	stream.linear.scatter [tilespmem:s23], [sflag:$0x2], $0x2000, $0x38;
	[tilespmem:$0x1A400] =	vst v63  }
0xc2: {  	_ =	swait.ge [sflag:s2], $0x2000  }
0xc3: {  	[sflag:s2] =	ssyncset.done $0x0  }
0xc4: {  	s6 =	sadd.s32 $0x480, s5;
	[sflag:s2] =	ssyncadd.s32 $0xFFFFE000  }
0xc5: {  	[tilespmem:s23], [sflag:$0x1] =	stream.indirect.gather [hbm4b:s1+s18], $0x80, s6, s18, $0xb8;
	[tilespmem:$0x1A400] =	vst v63  }
0xc6: {  	_ =	swait.ge [sflag:s30], $0x2000  }
0xc7: {  	[sflag:s30] =	ssyncset.done $0x0  }
0xc8: {  	s6 =	sadd.s32 $0x1000, s4;
	[sflag:s30] =	ssyncadd.s32 $0xFFFFE000  }
0xc9: {  	[hbm4b:s6+s3] =	stream.linear.scatter [tilespmem:s28], [sflag:$0x2], $0x2000, $0x38;
	[tilespmem:$0x1A400] =	vst v63  }
0xca: {  	_ =	swait.ge [sflag:s2], $0x2000  }
0xcb: {  	[sflag:s2] =	ssyncset.done $0x0  }
.Ltmp0:
0xcc: {  	s5 =	sadd.s32 $0x4C0, s5;
	[sflag:s2] =	ssyncadd.s32 $0xFFFFE000;
	(pc) =	sbr.rel @p0 .LBB2_2-.Ltmp0, $4  }
0xcd: {  	[tilespmem:s28], [sflag:$0x1] =	stream.indirect.gather [hbm4b:s1+s18], $0x80, s5, s18, $0xb8;
	[tilespmem:$0x1A400] =	vst v63  }
0xce: {  	_ =	swait.ge [sflag:s30], $0x2000  }
0xcf: {  	[sflag:s30] =	ssyncset.done $0x0  }
0xd0: {  	s5 =	sadd.s32 $0x1400, s4;
	s4 =	sadd.s32 $0x2800, s4;
	[sflag:s30] =	ssyncadd.s32 $0xFFFFE000  }
0xd1: {  	[hbm4b:s5+s3] =	stream.linear.scatter [tilespmem:s19], [sflag:$0x2], $0x2000, $0x38;
	[tilespmem:$0x1A400] =	vst v63  }
0xd2: {  	_ =	swait.ge [sflag:s30], $0x2000  }
0xd3: {  	[sflag:s30] =	ssyncset.done $0x0  }
0xd4: {  	s4 =	rddreg [dreg:$0x6];
	[sflag:s30] =	ssyncadd.s32 $0xFFFFE000  }
0xd5: {  	[hbm4b:s4+s3] =	stream.linear.scatter [tilespmem:s20], [sflag:$0x2], $0x2000, $0x38;
	[tilespmem:$0x1A400] =	vst v63  }
0xd6: {  	_ =	swait.ge [sflag:s30], $0x2000  }
0xd7: {  	[sflag:s30] =	ssyncset.done $0x0  }
0xd8: {  	[sflag:s30] =	ssyncadd.s32 $0xFFFFE000  }
0xd9: {  	[hbm4b:s7+s3] =	stream.linear.scatter [tilespmem:s22], [sflag:$0x2], $0x2000, $0x38;
	[tilespmem:$0x1A400] =	vst v63  }
0xda: {  	_ =	swait.ge [sflag:s30], $0x2000  }
0xdb: {  	[sflag:s30] =	ssyncset.done $0x0  }
0xdc: {  	[sflag:s30] =	ssyncadd.s32 $0xFFFFE000  }
0xdd: {  	[hbm4b:s8+s3] =	stream.linear.scatter [tilespmem:s24], [sflag:$0x2], $0x2000, $0x38;
	[tilespmem:$0x1A400] =	vst v63  }
0xde: {  	_ =	swait.ge [sflag:s30], $0x2000  }
0xdf: {  	[sflag:s30] =	ssyncset.done $0x0  }
0xe0: {  	[sflag:s30] =	ssyncadd.s32 $0xFFFFE000  }
0xe1: {  	[hbm4b:s9+s3] =	stream.linear.scatter [tilespmem:s26], [sflag:$0x2], $0x2000, $0x38;
	[tilespmem:$0x1A400] =	vst v63  }
0xe2: {  	_ =	swait.ge [sflag:s30], $0x2000  }
0xe3: {  	[sflag:s30] =	ssyncset.done $0x0  }
0xe4: {  	[sflag:s30] =	ssyncadd.s32 $0xFFFFE000  }
0xe5: {  	[hbm4b:s10+s3] =	stream.linear.scatter [tilespmem:s29], [sflag:$0x2], $0x2000, $0x38;
	[tilespmem:$0x1A400] =	vst v63  }
0xe6: {  	_ =	swait.ge [sflag:s30], $0x2000  }
0xe7: {  	[sflag:s30] =	ssyncset.done $0x0  }
0xe8: {  	[sflag:s30] =	ssyncadd.s32 $0xFFFFE000  }
0xe9: {  	[hbm4b:s11+s3] =	stream.linear.scatter [tilespmem:s31], [sflag:$0x2], $0x2000, $0x38;
	[tilespmem:$0x1A400] =	vst v63  }
0xea: {  	_ =	swait.ge [sflag:s30], $0x2000  }
0xeb: {  	[sflag:s30] =	ssyncset.done $0x0  }
0xec: {  	[sflag:s30] =	ssyncadd.s32 $0xFFFFE000  }
0xed: {  	[hbm4b:s12+s3] =	stream.linear.scatter [tilespmem:s0], [sflag:$0x2], $0x2000, $0x38;
	[tilespmem:$0x1A400] =	vst v63  }
0xee: {  	_ =	swait.ge [sflag:s30], $0x2000  }
0xef: {  	[sflag:s30] =	ssyncset.done $0x0  }
0xf0: {  	[sflag:s30] =	ssyncadd.s32 $0xFFFFE000  }
0xf1: {  	[hbm4b:s13+s3] =	stream.linear.scatter [tilespmem:s23], [sflag:$0x2], $0x2000, $0x38;
	[tilespmem:$0x1A400] =	vst v63  }
0xf2: {  	_ =	swait.ge [sflag:s30], $0x2000  }
0xf3: {  	[sflag:s30] =	ssyncset.done $0x0  }
0xf4: {  	[sflag:s30] =	ssyncadd.s32 $0xFFFFE000  }
0xf5: {  	[hbm4b:s14+s3] =	stream.linear.scatter [tilespmem:s28], [sflag:$0x2], $0x2000, $0x38;
	[tilespmem:$0x1A400] =	vst v63  }
0xf6: {  	_ =	swait.ge [sflag:s2], $0x2000  }
0xf7: {  	[sflag:s2] =	ssyncset.done $0x0  }
0xf8: {  	[sflag:s2] =	ssyncadd.s32 $0xFFFFE000  }
0xf9: {  	_ =	swait.ge [sflag:s2], $0x2000  }
0xfa: {  	[sflag:s2] =	ssyncset.done $0x0  }
0xfb: {  	[sflag:s2] =	ssyncadd.s32 $0xFFFFE000  }
0xfc: {  	_ =	swait.ge [sflag:s2], $0x2000  }
0xfd: {  	[sflag:s2] =	ssyncset.done $0x0  }
0xfe: {  	[sflag:s2] =	ssyncadd.s32 $0xFFFFE000  }
0xff: {  	_ =	swait.ge [sflag:s2], $0x2000  }
0x100: {  	[sflag:s2] =	ssyncset.done $0x0  }
0x101: {  	[sflag:s2] =	ssyncadd.s32 $0xFFFFE000  }
0x102: {  	_ =	swait.ge [sflag:s2], $0x2000  }
0x103: {  	[sflag:s2] =	ssyncset.done $0x0  }
0x104: {  	[sflag:s2] =	ssyncadd.s32 $0xFFFFE000  }
0x105: {  	_ =	swait.ge [sflag:s2], $0x2000  }
0x106: {  	[sflag:s2] =	ssyncset.done $0x0  }
0x107: {  	[sflag:s2] =	ssyncadd.s32 $0xFFFFE000  }
0x108: {  	_ =	swait.ge [sflag:s2], $0x2000  }
0x109: {  	[sflag:s2] =	ssyncset.done $0x0  }
0x10a: {  	[sflag:s2] =	ssyncadd.s32 $0xFFFFE000  }
0x10b: {  	_ =	swait.ge [sflag:s2], $0x2000  }
0x10c: {  	[sflag:s2] =	ssyncset.done $0x0  }
0x10d: {  	s21 =	sadd.s32 $0x1, s21;
	[sflag:s2] =	ssyncadd.s32 $0xFFFFE000  }
0x10e: {  	p0 =	sne.s32 s21, s15;
	_ =	swait.ge [sflag:s2], $0x2000  }
.Ltmp1:
0x10f: {  	[sflag:s2] =	ssyncset.done $0x0;
	(pc) =	sbr.rel @p0 .LBB2_1-.Ltmp1, $4  }
0x110: {  	[sflag:s2] =	ssyncadd.s32 $0xFFFFE000  }
0x111: {  	_ =	swait.ge [sflag:s2], $0x2000  }
0x112: {  	[sflag:s2] =	ssyncset.done $0x0  }
0x113: {  	[sflag:s2] =	ssyncadd.s32 $0xFFFFE000  }
0x114: {  	_ =	sfence.sel $0x180000  }
0x115: {  	[bflag:$0x0] =	sbarrier.arrive $0xFFFF  }
0x116: {  	_ =	strace $0x90000047  }
0x117: {  	s0 =	stileid.u32;
	[bflag:$0x2] =	sbarrier.arrive $0xFFFF  }
0x118: {  	p0 =	sne.s32 s0, $0x0;
	s0 =	rddreg [dreg:$0x3]  }
0x119: {  	s0 =	sadd.s32 @!p0 $0x100000, s0  }
0x11a: {  	[sflag:s0] =	ssyncadd.tile.s32 @!p0 $0x1;
	_ =	shalt  }
.Lfunc_end2:
_tile_overlayer_lowered:
.L_overlay_start_2:
0x11b: {  	(tag) =	ssettag $0x2  }
0x11c: {  	s0 =	rddreg [dreg:$0x0];
	s2 =	stileid.u32  }
0x11d: {  	s1 =	rddreg [dreg:$0x1];
	p0 =	sne.s32 s2, $0x0  }
0x11e: {  	s3 =	rddreg [dreg:$0x2];
	[bflag:$0x3] =	sbarrier.arrive $0xFFFF;
	s2 =	simm.s32 @!p0 $0x1C03  }
0x11f: {  	[timem:s3], [sflag:s2] =	dma.local @!p0 [hbm:s0], s1  }
0x120: {  	s0 =	simm.s32 @!p0 $0x3  }
0x121: {  	_ =	swait.ge @!p0 [sflag:s0], s1  }
0x122: {  	s1 =	ssub.s32 @!p0 $0x0, s1;
	[sflag:s0] =	ssyncset.done @!p0 $0x0  }
0x123: {  	[sflag:s0] =	ssyncadd.s32 @!p0 s1  }
0x124: {  	[bflag:$0x3] =	sbarrier.arrive $0xFFFF  }
0x125: {  	_ =	shalt  }

</sc_bundles>
